<compile_context>
chip_gen: v7x
topology: tpu7x:2x2x1
jax: 0.10.2.dev20260603
libtpu: 0.0.44.dev20260713+nightly
codegen_flags: <defaults>
</compile_context>

<pallas_src>
import functools

import jax
import jax.numpy as jnp
from jax import lax
from jax.experimental import pallas as pl
from jax.experimental.pallas import tpu as pltpu
from jax.experimental.pallas import tpu_sc as plsc

_CODEBOOK = 1024
_D = 256
_ROWS_PER_BLOCK = 4096

_NC = 2
_NS = 16
_NW = _NC * _NS


def _vq_block(z_ref, emb_ref, idx_ref, acc_ref, esq_ref, m2e_ref):
    i = pl.program_id(0)
    zb = z_ref[...]

    @pl.when(i == 0)
    def _prep_codebook():
        emb = emb_ref[...]
        ones = jnp.ones((_D, 1), jnp.float32)
        esq_ref[...] = jax.lax.dot_general(
            emb * emb, ones, (((1,), (0,)), ((), ())),
            preferred_element_type=jnp.float32)
        m2e_ref[...] = emb * (-2.0)

    e_sq = esq_ref[...]
    ones_row = jnp.ones((1, _D), jnp.float32)
    z_sq = jax.lax.dot_general(
        ones_row, zb * zb, (((1,), (1,)), ((), ())),
        preferred_element_type=jnp.float32)
    scores2 = jax.lax.dot_general(
        m2e_ref[...], zb, (((1,), (1,)), ((), ())),
        preferred_element_type=jnp.float32)
    d = (z_sq + e_sq) + scores2
    min_d = jnp.min(d, axis=0, keepdims=True)
    idx = jnp.argmin(d, axis=0).astype(jnp.int32)
    idx_ref[...] = idx.reshape(1, 1, idx.shape[-1])
    part = jnp.sum(min_d).reshape(1, 1)

    @pl.when(i == 0)
    def _init():
        acc_ref[...] = part

    @pl.when(i != 0)
    def _accum():
        acc_ref[...] += part


def _distance_argmin(z_flat, embedding, n_rows, row_offset):
    d_ = z_flat.shape[1]
    nb = n_rows // _ROWS_PER_BLOCK
    boff = row_offset // _ROWS_PER_BLOCK
    return pl.pallas_call(
        _vq_block,
        grid=(nb,),
        in_specs=[
            pl.BlockSpec((_ROWS_PER_BLOCK, d_), lambda i: (i + boff, 0)),
            pl.BlockSpec((_CODEBOOK, d_), lambda i: (0, 0)),
        ],
        out_specs=[
            pl.BlockSpec((1, 1, _ROWS_PER_BLOCK), lambda i: (i, 0, 0)),
            pl.BlockSpec((1, 1), lambda i: (0, 0)),
        ],
        out_shape=[
            jax.ShapeDtypeStruct((nb, 1, _ROWS_PER_BLOCK), jnp.int32),
            jax.ShapeDtypeStruct((1, 1), jnp.float32),
        ],
        scratch_shapes=[
            pltpu.VMEM((_CODEBOOK, 1), jnp.float32),
            pltpu.VMEM((_CODEBOOK, _D), jnp.float32),
        ],
    )(z_flat, embedding)


def _make_gather(n_rows):
    rows_per_w = n_rows // _NW
    chunk = 128
    n_chunks = rows_per_w // chunk
    mesh = plsc.VectorSubcoreMesh(core_axis_name="c", subcore_axis_name="s")

    @functools.partial(
        pl.kernel, mesh=mesh,
        out_type=jax.ShapeDtypeStruct((n_rows, _D), jnp.float32),
        scratch_types=[
            pltpu.VMEM((rows_per_w,), jnp.int32),
            pltpu.VMEM((chunk, _D), jnp.float32),
            pltpu.VMEM((chunk, _D), jnp.float32),
            pltpu.SemaphoreType.DMA,
            pltpu.SemaphoreType.DMA,
            pltpu.SemaphoreType.DMA,
            pltpu.SemaphoreType.DMA,
        ],
    )
    def gather(table_hbm, idx_hbm, out_hbm, idx_v, rows_a, rows_b,
               gsem_a, gsem_b, wsem_a, wsem_b):
        wid = lax.axis_index("s") * _NC + lax.axis_index("c")
        base = wid * rows_per_w
        pltpu.sync_copy(idx_hbm.at[pl.ds(base, rows_per_w)], idx_v)
        bufs = (rows_a, rows_b)
        gsems = (gsem_a, gsem_b)
        wsems = (wsem_a, wsem_b)
        gathers = []
        writes = [None, None]
        for k in range(n_chunks):
            b = k % 2
            if k >= 2:
                writes[b].wait()
            gathers.append(pltpu.async_copy(
                table_hbm.at[idx_v.at[pl.ds(k * chunk, chunk)]],
                bufs[b], gsems[b]))
            if k >= 1:
                gathers[k - 1].wait()
                writes[(k - 1) % 2] = pltpu.async_copy(
                    bufs[(k - 1) % 2],
                    out_hbm.at[pl.ds(base + (k - 1) * chunk, chunk)],
                    wsems[(k - 1) % 2])
        gathers[n_chunks - 1].wait()
        writes[(n_chunks - 1) % 2] = pltpu.async_copy(
            bufs[(n_chunks - 1) % 2],
            out_hbm.at[pl.ds(base + (n_chunks - 1) * chunk, chunk)],
            wsems[(n_chunks - 1) % 2])
        writes[0].wait()
        if n_chunks > 1:
            writes[1].wait()

    return gather


@functools.partial(jax.jit, static_argnames=())
def kernel(z, embedding):
    z = z.astype(jnp.float32)
    B, T, D = z.shape
    N = B * T
    z_flat = z.reshape(N, D)

    idx3, acc = _distance_argmin(z_flat, embedding, N, 0)
    zq = _make_gather(N)(embedding, idx3.reshape(N))

    z_quantized = zq.reshape(B, T, D)
    indices = idx3.reshape(B, T)
    m = acc[0, 0] / jnp.float32(N * D)
    commitment_loss = jnp.float32(0.25) * m
    codebook_loss = m
    loss = commitment_loss + codebook_loss
    return (z_quantized, loss, commitment_loss, codebook_loss, indices)

# --- scband reference (transcript-rebuilt; emitter-appended) ---
"""Pipeline reference for scband-vector-quantizer-59614146068928 (READ-ONLY COPY).

The authoritative reference and input builder live on the scoring server;
editing this copy changes nothing except your own understanding.
"""

import jax, jax.numpy as jnp
import numpy as np

CODEBOOK_SIZE = 1024
TOKEN_SIZE = 256
COMMITMENT_COST = 0.25


def setup_inputs(seed: int = 0) -> dict:
    key = jax.random.key(seed)
    k_z, k_emb = jax.random.split(key)
    z = jax.random.normal(k_z, (16, 1024, 256), dtype=jnp.float32)
    embedding = jax.random.uniform(
        k_emb, (CODEBOOK_SIZE, TOKEN_SIZE), dtype=jnp.float32,
        minval=-1.0 / CODEBOOK_SIZE, maxval=1.0 / CODEBOOK_SIZE)
    return {"z": z, "embedding": embedding}


def reference(z, embedding):
    z = z.astype(jnp.float32)
    B, T, D = z.shape
    z_flat = z.reshape(B * T, D)
    # d = ||z||^2 + ||e||^2 - 2 z e^T
    d = (jnp.sum(z_flat ** 2, axis=1, keepdims=True)
         + jnp.sum(embedding ** 2, axis=1)
         - 2.0 * jnp.einsum('bd,nd->bn', z_flat, embedding))
    min_encoding_indices = jnp.argmin(d, axis=1)
    z_quantized = jnp.take(embedding, min_encoding_indices, axis=0).reshape(z.shape)
    commitment_loss = COMMITMENT_COST * jnp.mean((jax.lax.stop_gradient(z_quantized) - z) ** 2)
    codebook_loss = jnp.mean((z_quantized - jax.lax.stop_gradient(z)) ** 2)
    loss = commitment_loss + codebook_loss  # ema_update=False
    z_quantized_st = z + jax.lax.stop_gradient(z_quantized - z)
    return (z_quantized_st, loss, commitment_loss, codebook_loss,
            min_encoding_indices.reshape(B, T))

if __name__ == "__main__":
    import jax
    _d = setup_inputs()
    print(jax.jit(kernel)(*tuple(_d.values())))

</pallas_src>

<mosaic_0001>
#map = affine_map<(d0, d1) -> (0, 0)>
#map1 = affine_map<(d0, d1) -> (0)>
module attributes {stable_mosaic.version = 14 : i64} {
  func.func @gather(%arg0: i32, %arg1: i32, %arg2: memref<1024x256xf32, #tpu.memory_space<hbm>>, %arg3: memref<16384xi32, #tpu.memory_space<hbm>>, %arg4: memref<16384x256xf32, #tpu.memory_space<hbm>>, %arg5: memref<512xi32, #tpu.memory_space<vmem>>, %arg6: memref<128x256xf32, #tpu.memory_space<vmem>>, %arg7: memref<128x256xf32, #tpu.memory_space<vmem>>, %arg8: memref<!tpu.dma_semaphore, #tpu.memory_space<semaphore_mem>>, %arg9: memref<!tpu.dma_semaphore, #tpu.memory_space<semaphore_mem>>, %arg10: memref<!tpu.dma_semaphore, #tpu.memory_space<semaphore_mem>>, %arg11: memref<!tpu.dma_semaphore, #tpu.memory_space<semaphore_mem>>) attributes {dimension_semantics = [#tpu.dimension_semantics<core_parallel>, #tpu.dimension_semantics<subcore_parallel>], iteration_bounds = array<i64: 2, 16>, scalar_prefetch = 0 : i64, scratch_operands = 7 : i64, tpu.core_type = #tpu.core_type<sc_vector_subcore>, window_params = [{transform_indices = #map}, {transform_indices = #map1}, {transform_indices = #map}]} {
    %mul3A = arith.constant 2 : i32
    %mul3A_0 = arith.muli %arg1, %mul3A : i32
    %add3A = arith.addi %mul3A_0, %arg0 : i32
    %mul3A_1 = arith.constant 512 : i32
    %mul3A_2 = arith.muli %add3A, %mul3A_1 : i32
    "tpu.region"() ({
      %run_scoped3A = tpu.sem_alloc : memref<!tpu.dma_semaphore, #tpu.memory_space<semaphore_mem>>
      %dma_start3A_81 = tpu.memref_slice %arg3[%mul3A_2] : memref<16384xi32, #tpu.memory_space<hbm>> -> memref<512xi32, #tpu.memory_space<hbm>>
      %dma_start3A_82 = tpu.memref_slice %arg3[%mul3A_2] : memref<16384xi32, #tpu.memory_space<hbm>> -> memref<512xi32, #tpu.memory_space<hbm>>
      tpu.enqueue_dma source(%dma_start3A_82 : memref<512xi32, #tpu.memory_space<hbm>>) target(%arg5 : memref<512xi32, #tpu.memory_space<vmem>>) target_semaphore(%run_scoped3A : memref<!tpu.dma_semaphore, #tpu.memory_space<semaphore_mem>>)
      %dma_wait3A_83 = tpu.memref_slice %arg3[%mul3A_2] : memref<16384xi32, #tpu.memory_space<hbm>> -> memref<512xi32, #tpu.memory_space<hbm>>
      %dma_wait3A_84 = tpu.memref_slice %arg3[%mul3A_2] : memref<16384xi32, #tpu.memory_space<hbm>> -> memref<512xi32, #tpu.memory_space<hbm>>
      tpu.wait_dma2 semaphore(%run_scoped3A : memref<!tpu.dma_semaphore, #tpu.memory_space<semaphore_mem>>) src(%dma_wait3A_84 : memref<512xi32, #tpu.memory_space<hbm>>) dst(%arg5 : memref<512xi32, #tpu.memory_space<vmem>>)
      tpu.yield
    }) : () -> ()
    %dma_start3A = arith.constant 0 : i32
    %dma_start3A_3 = tpu.memref_slice %arg5[%dma_start3A] : memref<512xi32, #tpu.memory_space<vmem>> -> memref<128xi32, #tpu.memory_space<vmem>>
    %dma_start3A_4 = arith.constant 0 : i32
    %dma_start3A_5 = arith.constant 0 : i32
    %dma_start3A_6 = tpu.memref_slice %arg2[%dma_start3A_4, %dma_start3A_5] : memref<1024x256xf32, #tpu.memory_space<hbm>> -> memref<1024x256xf32, #tpu.memory_space<hbm>>
    tpu.enqueue_indirect_dma source(%dma_start3A_6 : memref<1024x256xf32, #tpu.memory_space<hbm>>) target(%arg6 : memref<128x256xf32, #tpu.memory_space<vmem>>) offsets(%dma_start3A_3 : memref<128xi32, #tpu.memory_space<vmem>>) semaphore(%arg8 : memref<!tpu.dma_semaphore, #tpu.memory_space<semaphore_mem>>)
    %dma_start3A_7 = arith.constant 128 : i32
    %dma_start3A_8 = tpu.memref_slice %arg5[%dma_start3A_7] : memref<512xi32, #tpu.memory_space<vmem>> -> memref<128xi32, #tpu.memory_space<vmem>>
    %dma_start3A_9 = arith.constant 0 : i32
    %dma_start3A_10 = arith.constant 0 : i32
    %dma_start3A_11 = tpu.memref_slice %arg2[%dma_start3A_9, %dma_start3A_10] : memref<1024x256xf32, #tpu.memory_space<hbm>> -> memref<1024x256xf32, #tpu.memory_space<hbm>>
    tpu.enqueue_indirect_dma source(%dma_start3A_11 : memref<1024x256xf32, #tpu.memory_space<hbm>>) target(%arg7 : memref<128x256xf32, #tpu.memory_space<vmem>>) offsets(%dma_start3A_8 : memref<128xi32, #tpu.memory_space<vmem>>) semaphore(%arg9 : memref<!tpu.dma_semaphore, #tpu.memory_space<semaphore_mem>>)
    %dma_wait3A = arith.constant 0 : i32
    %dma_wait3A_12 = tpu.memref_slice %arg5[%dma_wait3A] : memref<512xi32, #tpu.memory_space<vmem>> -> memref<128xi32, #tpu.memory_space<vmem>>
    %dma_wait3A_13 = arith.constant 0 : i32
    %dma_wait3A_14 = arith.constant 0 : i32
    %dma_wait3A_15 = tpu.memref_slice %arg2[%dma_wait3A_13, %dma_wait3A_14] : memref<1024x256xf32, #tpu.memory_space<hbm>> -> memref<1024x256xf32, #tpu.memory_space<hbm>>
    tpu.wait_indirect_dma semaphore(%arg8 : memref<!tpu.dma_semaphore, #tpu.memory_space<semaphore_mem>>) src(%dma_wait3A_15 : memref<1024x256xf32, #tpu.memory_space<hbm>>) dst(%arg6 : memref<128x256xf32, #tpu.memory_space<vmem>>)
    %add3A_16 = arith.constant 0 : i32
    %add3A_17 = arith.addi %mul3A_2, %add3A_16 : i32
    %dma_start3A_18 = arith.constant 0 : i32
    %dma_start3A_19 = tpu.memref_slice %arg4[%add3A_17, %dma_start3A_18] : memref<16384x256xf32, #tpu.memory_space<hbm>> -> memref<128x256xf32, #tpu.memory_space<hbm>>
    %dma_start3A_20 = arith.constant 0 : i32
    %dma_start3A_21 = tpu.memref_slice %arg4[%add3A_17, %dma_start3A_20] : memref<16384x256xf32, #tpu.memory_space<hbm>> -> memref<128x256xf32, #tpu.memory_space<hbm>>
    tpu.enqueue_dma source(%arg6 : memref<128x256xf32, #tpu.memory_space<vmem>>) target(%dma_start3A_21 : memref<128x256xf32, #tpu.memory_space<hbm>>) target_semaphore(%arg10 : memref<!tpu.dma_semaphore, #tpu.memory_space<semaphore_mem>>)
    %dma_wait3A_22 = arith.constant 0 : i32
    %dma_wait3A_23 = tpu.memref_slice %arg4[%add3A_17, %dma_wait3A_22] : memref<16384x256xf32, #tpu.memory_space<hbm>> -> memref<128x256xf32, #tpu.memory_space<hbm>>
    %dma_wait3A_24 = arith.constant 0 : i32
    %dma_wait3A_25 = tpu.memref_slice %arg4[%add3A_17, %dma_wait3A_24] : memref<16384x256xf32, #tpu.memory_space<hbm>> -> memref<128x256xf32, #tpu.memory_space<hbm>>
    tpu.wait_dma2 semaphore(%arg10 : memref<!tpu.dma_semaphore, #tpu.memory_space<semaphore_mem>>) src(%arg6 : memref<128x256xf32, #tpu.memory_space<vmem>>) dst(%dma_wait3A_25 : memref<128x256xf32, #tpu.memory_space<hbm>>)
    %dma_start3A_26 = arith.constant 256 : i32
    %dma_start3A_27 = tpu.memref_slice %arg5[%dma_start3A_26] : memref<512xi32, #tpu.memory_space<vmem>> -> memref<128xi32, #tpu.memory_space<vmem>>
    %dma_start3A_28 = arith.constant 0 : i32
    %dma_start3A_29 = arith.constant 0 : i32
    %dma_start3A_30 = tpu.memref_slice %arg2[%dma_start3A_28, %dma_start3A_29] : memref<1024x256xf32, #tpu.memory_space<hbm>> -> memref<1024x256xf32, #tpu.memory_space<hbm>>
    tpu.enqueue_indirect_dma source(%dma_start3A_30 : memref<1024x256xf32, #tpu.memory_space<hbm>>) target(%arg6 : memref<128x256xf32, #tpu.memory_space<vmem>>) offsets(%dma_start3A_27 : memref<128xi32, #tpu.memory_space<vmem>>) semaphore(%arg8 : memref<!tpu.dma_semaphore, #tpu.memory_space<semaphore_mem>>)
    %dma_wait3A_31 = arith.constant 128 : i32
    %dma_wait3A_32 = tpu.memref_slice %arg5[%dma_wait3A_31] : memref<512xi32, #tpu.memory_space<vmem>> -> memref<128xi32, #tpu.memory_space<vmem>>
    %dma_wait3A_33 = arith.constant 0 : i32
    %dma_wait3A_34 = arith.constant 0 : i32
    %dma_wait3A_35 = tpu.memref_slice %arg2[%dma_wait3A_33, %dma_wait3A_34] : memref<1024x256xf32, #tpu.memory_space<hbm>> -> memref<1024x256xf32, #tpu.memory_space<hbm>>
    tpu.wait_indirect_dma semaphore(%arg9 : memref<!tpu.dma_semaphore, #tpu.memory_space<semaphore_mem>>) src(%dma_wait3A_35 : memref<1024x256xf32, #tpu.memory_space<hbm>>) dst(%arg7 : memref<128x256xf32, #tpu.memory_space<vmem>>)
    %add3A_36 = arith.constant 128 : i32
    %add3A_37 = arith.addi %mul3A_2, %add3A_36 : i32
    %dma_start3A_38 = arith.constant 0 : i32
    %dma_start3A_39 = tpu.memref_slice %arg4[%add3A_37, %dma_start3A_38] : memref<16384x256xf32, #tpu.memory_space<hbm>> -> memref<128x256xf32, #tpu.memory_space<hbm>>
    %dma_start3A_40 = arith.constant 0 : i32
    %dma_start3A_41 = tpu.memref_slice %arg4[%add3A_37, %dma_start3A_40] : memref<16384x256xf32, #tpu.memory_space<hbm>> -> memref<128x256xf32, #tpu.memory_space<hbm>>
    tpu.enqueue_dma source(%arg7 : memref<128x256xf32, #tpu.memory_space<vmem>>) target(%dma_start3A_41 : memref<128x256xf32, #tpu.memory_space<hbm>>) target_semaphore(%arg11 : memref<!tpu.dma_semaphore, #tpu.memory_space<semaphore_mem>>)
    %dma_wait3A_42 = arith.constant 0 : i32
    %dma_wait3A_43 = tpu.memref_slice %arg4[%add3A_37, %dma_wait3A_42] : memref<16384x256xf32, #tpu.memory_space<hbm>> -> memref<128x256xf32, #tpu.memory_space<hbm>>
    %dma_wait3A_44 = arith.constant 0 : i32
    %dma_wait3A_45 = tpu.memref_slice %arg4[%add3A_37, %dma_wait3A_44] : memref<16384x256xf32, #tpu.memory_space<hbm>> -> memref<128x256xf32, #tpu.memory_space<hbm>>
    tpu.wait_dma2 semaphore(%arg11 : memref<!tpu.dma_semaphore, #tpu.memory_space<semaphore_mem>>) src(%arg7 : memref<128x256xf32, #tpu.memory_space<vmem>>) dst(%dma_wait3A_45 : memref<128x256xf32, #tpu.memory_space<hbm>>)
    %dma_start3A_46 = arith.constant 384 : i32
    %dma_start3A_47 = tpu.memref_slice %arg5[%dma_start3A_46] : memref<512xi32, #tpu.memory_space<vmem>> -> memref<128xi32, #tpu.memory_space<vmem>>
    %dma_start3A_48 = arith.constant 0 : i32
    %dma_start3A_49 = arith.constant 0 : i32
    %dma_start3A_50 = tpu.memref_slice %arg2[%dma_start3A_48, %dma_start3A_49] : memref<1024x256xf32, #tpu.memory_space<hbm>> -> memref<1024x256xf32, #tpu.memory_space<hbm>>
    tpu.enqueue_indirect_dma source(%dma_start3A_50 : memref<1024x256xf32, #tpu.memory_space<hbm>>) target(%arg7 : memref<128x256xf32, #tpu.memory_space<vmem>>) offsets(%dma_start3A_47 : memref<128xi32, #tpu.memory_space<vmem>>) semaphore(%arg9 : memref<!tpu.dma_semaphore, #tpu.memory_space<semaphore_mem>>)
    %dma_wait3A_51 = arith.constant 256 : i32
    %dma_wait3A_52 = tpu.memref_slice %arg5[%dma_wait3A_51] : memref<512xi32, #tpu.memory_space<vmem>> -> memref<128xi32, #tpu.memory_space<vmem>>
    %dma_wait3A_53 = arith.constant 0 : i32
    %dma_wait3A_54 = arith.constant 0 : i32
    %dma_wait3A_55 = tpu.memref_slice %arg2[%dma_wait3A_53, %dma_wait3A_54] : memref<1024x256xf32, #tpu.memory_space<hbm>> -> memref<1024x256xf32, #tpu.memory_space<hbm>>
    tpu.wait_indirect_dma semaphore(%arg8 : memref<!tpu.dma_semaphore, #tpu.memory_space<semaphore_mem>>) src(%dma_wait3A_55 : memref<1024x256xf32, #tpu.memory_space<hbm>>) dst(%arg6 : memref<128x256xf32, #tpu.memory_space<vmem>>)
    %add3A_56 = arith.constant 256 : i32
    %add3A_57 = arith.addi %mul3A_2, %add3A_56 : i32
    %dma_start3A_58 = arith.constant 0 : i32
    %dma_start3A_59 = tpu.memref_slice %arg4[%add3A_57, %dma_start3A_58] : memref<16384x256xf32, #tpu.memory_space<hbm>> -> memref<128x256xf32, #tpu.memory_space<hbm>>
    %dma_start3A_60 = arith.constant 0 : i32
    %dma_start3A_61 = tpu.memref_slice %arg4[%add3A_57, %dma_start3A_60] : memref<16384x256xf32, #tpu.memory_space<hbm>> -> memref<128x256xf32, #tpu.memory_space<hbm>>
    tpu.enqueue_dma source(%arg6 : memref<128x256xf32, #tpu.memory_space<vmem>>) target(%dma_start3A_61 : memref<128x256xf32, #tpu.memory_space<hbm>>) target_semaphore(%arg10 : memref<!tpu.dma_semaphore, #tpu.memory_space<semaphore_mem>>)
    %dma_wait3A_62 = arith.constant 384 : i32
    %dma_wait3A_63 = tpu.memref_slice %arg5[%dma_wait3A_62] : memref<512xi32, #tpu.memory_space<vmem>> -> memref<128xi32, #tpu.memory_space<vmem>>
    %dma_wait3A_64 = arith.constant 0 : i32
    %dma_wait3A_65 = arith.constant 0 : i32
    %dma_wait3A_66 = tpu.memref_slice %arg2[%dma_wait3A_64, %dma_wait3A_65] : memref<1024x256xf32, #tpu.memory_space<hbm>> -> memref<1024x256xf32, #tpu.memory_space<hbm>>
    tpu.wait_indirect_dma semaphore(%arg9 : memref<!tpu.dma_semaphore, #tpu.memory_space<semaphore_mem>>) src(%dma_wait3A_66 : memref<1024x256xf32, #tpu.memory_space<hbm>>) dst(%arg7 : memref<128x256xf32, #tpu.memory_space<vmem>>)
    %add3A_67 = arith.constant 384 : i32
    %add3A_68 = arith.addi %mul3A_2, %add3A_67 : i32
    %dma_start3A_69 = arith.constant 0 : i32
    %dma_start3A_70 = tpu.memref_slice %arg4[%add3A_68, %dma_start3A_69] : memref<16384x256xf32, #tpu.memory_space<hbm>> -> memref<128x256xf32, #tpu.memory_space<hbm>>
    %dma_start3A_71 = arith.constant 0 : i32
    %dma_start3A_72 = tpu.memref_slice %arg4[%add3A_68, %dma_start3A_71] : memref<16384x256xf32, #tpu.memory_space<hbm>> -> memref<128x256xf32, #tpu.memory_space<hbm>>
    tpu.enqueue_dma source(%arg7 : memref<128x256xf32, #tpu.memory_space<vmem>>) target(%dma_start3A_72 : memref<128x256xf32, #tpu.memory_space<hbm>>) target_semaphore(%arg11 : memref<!tpu.dma_semaphore, #tpu.memory_space<semaphore_mem>>)
    %dma_wait3A_73 = arith.constant 0 : i32
    %dma_wait3A_74 = tpu.memref_slice %arg4[%add3A_57, %dma_wait3A_73] : memref<16384x256xf32, #tpu.memory_space<hbm>> -> memref<128x256xf32, #tpu.memory_space<hbm>>
    %dma_wait3A_75 = arith.constant 0 : i32
    %dma_wait3A_76 = tpu.memref_slice %arg4[%add3A_57, %dma_wait3A_75] : memref<16384x256xf32, #tpu.memory_space<hbm>> -> memref<128x256xf32, #tpu.memory_space<hbm>>
    tpu.wait_dma2 semaphore(%arg10 : memref<!tpu.dma_semaphore, #tpu.memory_space<semaphore_mem>>) src(%arg6 : memref<128x256xf32, #tpu.memory_space<vmem>>) dst(%dma_wait3A_76 : memref<128x256xf32, #tpu.memory_space<hbm>>)
    %dma_wait3A_77 = arith.constant 0 : i32
    %dma_wait3A_78 = tpu.memref_slice %arg4[%add3A_68, %dma_wait3A_77] : memref<16384x256xf32, #tpu.memory_space<hbm>> -> memref<128x256xf32, #tpu.memory_space<hbm>>
    %dma_wait3A_79 = arith.constant 0 : i32
    %dma_wait3A_80 = tpu.memref_slice %arg4[%add3A_68, %dma_wait3A_79] : memref<16384x256xf32, #tpu.memory_space<hbm>> -> memref<128x256xf32, #tpu.memory_space<hbm>>
    tpu.wait_dma2 semaphore(%arg11 : memref<!tpu.dma_semaphore, #tpu.memory_space<semaphore_mem>>) src(%arg7 : memref<128x256xf32, #tpu.memory_space<vmem>>) dst(%dma_wait3A_80 : memref<128x256xf32, #tpu.memory_space<hbm>>)
    return
  }
}

module attributes {stable_mosaic.version = 14 : i64} {
  func.func @_vq_block(%arg0: i32, %arg1: memref<4096x256xf32, #tpu.memory_space<vmem>>, %arg2: memref<1024x256xf32, #tpu.memory_space<vmem>>, %arg3: memref<1x1x4096xi32, #tpu.memory_space<vmem>>, %arg4: memref<1x1xf32, #tpu.memory_space<vmem>>, %arg5: memref<1024x1xf32, #tpu.memory_space<vmem>>, %arg6: memref<1024x256xf32, #tpu.memory_space<vmem>>) attributes {dimension_semantics = [#tpu.dimension_semantics<arbitrary>], iteration_bounds = array<i64: 4>, scalar_prefetch = 0 : i64, scratch_operands = 2 : i64, tpu.core_type = #tpu.core_type<tc>, window_params = [{transform_indices = @transform_0, window_bounds = array<i64: 4096, 256>}, {pipeline_mode = #tpu.pipeline_mode<synchronous>, transform_indices = @transform_1, window_bounds = array<i64: 1024, 256>}, {transform_indices = @transform_2, window_bounds = array<i64: 1, 1, 4096>}, {pipeline_mode = #tpu.pipeline_mode<synchronous>, transform_indices = @transform_3, window_bounds = array<i64: 1, 1>}]} {
    %get3A = arith.constant 0 : index
    %get3A_0 = arith.constant 0 : index
    %get3A_1 = vector.load %arg1[%get3A, %get3A_0] : memref<4096x256xf32, #tpu.memory_space<vmem>>, vector<4096x256xf32>
    %eq3A = arith.constant 0 : i32
    %eq3A_2 = arith.cmpi eq, %arg0, %eq3A : i32
    %convert_element_type3A = arith.extui %eq3A_2 : i1 to i32
    %cond3A = arith.constant 0 : i32
    %cond3A_3 = arith.cmpi ne, %convert_element_type3A, %cond3A : i32
    scf.if %cond3A_3 {
      %get3A_36 = arith.constant 0 : index
      %get3A_37 = arith.constant 0 : index
      %get3A_38 = vector.load %arg2[%get3A_36, %get3A_37] : memref<1024x256xf32, #tpu.memory_space<vmem>>, vector<1024x256xf32>
      %broadcast_in_dim3A_39 = arith.constant 1.000000e+00 : f32
      %broadcast_in_dim3A_40 = vector.broadcast %broadcast_in_dim3A_39 : f32 to vector<256x1xf32>
      %mul3A_41 = arith.mulf %get3A_38, %get3A_38 : vector<1024x256xf32>
      %dot_general3A_42 = arith.constant dense<0.000000e+00> : vector<1024x1xf32>
      %dot_general3A_43 = tpu.matmul %mul3A_41, %broadcast_in_dim3A_40, %dot_general3A_42 {dimension_numbers = #tpu.dot_dimension_numbers<[1], [0], [0], [1], [0, 0, 1, 1], [], []>, transpose_lhs_hint = false} : vector<1024x256xf32>, vector<256x1xf32>, vector<1024x1xf32> -> vector<1024x1xf32>
      %swap3A_44 = arith.constant 0 : index
      %swap3A_45 = arith.constant 0 : index
      %swap3A_46 = vector.load %arg5[%swap3A_44, %swap3A_45] : memref<1024x1xf32, #tpu.memory_space<vmem>>, vector<1024x1xf32>
      tpu.vector_store %arg5[%swap3A_44, %swap3A_45], %dot_general3A_43 {strides = array<i32>} : memref<1024x1xf32, #tpu.memory_space<vmem>>, vector<1024x1xf32>,
      %mul3A_47 = arith.constant -2.000000e+00 : f32
      %mul3A_48 = vector.broadcast %mul3A_47 : f32 to vector<1024x256xf32>
      %mul3A_49 = arith.mulf %get3A_38, %mul3A_48 : vector<1024x256xf32>
      %swap3A_50 = arith.constant 0 : index
      %swap3A_51 = arith.constant 0 : index
      %swap3A_52 = vector.load %arg6[%swap3A_50, %swap3A_51] : memref<1024x256xf32, #tpu.memory_space<vmem>>, vector<1024x256xf32>
      tpu.vector_store %arg6[%swap3A_50, %swap3A_51], %mul3A_49 {strides = array<i32>} : memref<1024x256xf32, #tpu.memory_space<vmem>>, vector<1024x256xf32>,
    } else {
    }
    %get3A_4 = arith.constant 0 : index
    %get3A_5 = arith.constant 0 : index
    %get3A_6 = vector.load %arg5[%get3A_4, %get3A_5] : memref<1024x1xf32, #tpu.memory_space<vmem>>, vector<1024x1xf32>
    %broadcast_in_dim3A = arith.constant 1.000000e+00 : f32
    %broadcast_in_dim3A_7 = vector.broadcast %broadcast_in_dim3A : f32 to vector<1x256xf32>
    %mul3A = arith.mulf %get3A_1, %get3A_1 : vector<4096x256xf32>
    %dot_general3A = arith.constant dense<0.000000e+00> : vector<1x4096xf32>
    %dot_general3A_8 = tpu.matmul %broadcast_in_dim3A_7, %mul3A, %dot_general3A {dimension_numbers = #tpu.dot_dimension_numbers<[1], [1], [0], [0], [0, 0, 1, 0], [], []>, transpose_lhs_hint = false} : vector<1x256xf32>, vector<4096x256xf32>, vector<1x4096xf32> -> vector<1x4096xf32>
    %get3A_9 = arith.constant 0 : index
    %get3A_10 = arith.constant 0 : index
    %get3A_11 = vector.load %arg6[%get3A_9, %get3A_10] : memref<1024x256xf32, #tpu.memory_space<vmem>>, vector<1024x256xf32>
    %dot_general3A_12 = arith.constant dense<0.000000e+00> : vector<1024x4096xf32>
    %dot_general3A_13 = tpu.matmul %get3A_11, %get3A_1, %dot_general3A_12 {dimension_numbers = #tpu.dot_dimension_numbers<[1], [1], [0], [0], [0, 0, 1, 0], [], []>, transpose_lhs_hint = false} : vector<1024x256xf32>, vector<4096x256xf32>, vector<1024x4096xf32> -> vector<1024x4096xf32>
    %add3A = vector.broadcast %dot_general3A_8 : vector<1x4096xf32> to vector<1024x4096xf32>
    %add3A_14 = vector.broadcast %get3A_6 : vector<1024x1xf32> to vector<1024x4096xf32>
    %add3A_15 = arith.addf %add3A, %add3A_14 : vector<1024x4096xf32>
    %add3A_16 = arith.addf %add3A_15, %dot_general3A_13 : vector<1024x4096xf32>
    %reduce_min3A = arith.constant dense<0x7F800000> : vector<4096xf32>
    %reduce_min3A_17 = vector.multi_reduction <minimumf>, %add3A_16, %reduce_min3A [0] : vector<1024x4096xf32> to vector<4096xf32>
    %broadcast_in_dim3A_18 = vector.shape_cast %reduce_min3A_17 : vector<4096xf32> to vector<1x4096xf32>
    %argmin3A = tpu.reduce_index %add3A_16 {axis = 0 : i32, kind = #tpu.reduction_kind<arg_min>} : vector<1024x4096xf32> -> vector<4096xi32>
    %reshape3A = vector.shape_cast %argmin3A : vector<4096xi32> to vector<1x1x4096xi32>
    %swap3A = arith.constant 0 : index
    %swap3A_19 = arith.constant 0 : index
    %swap3A_20 = arith.constant 0 : index
    %swap3A_21 = vector.load %arg3[%swap3A, %swap3A_19, %swap3A_20] : memref<1x1x4096xi32, #tpu.memory_space<vmem>>, vector<1x1x4096xi32>
    tpu.vector_store %arg3[%swap3A, %swap3A_19, %swap3A_20], %reshape3A {strides = array<i32>} : memref<1x1x4096xi32, #tpu.memory_space<vmem>>, vector<1x1x4096xi32>,
    %reduce_sum3A = vector.shape_cast %broadcast_in_dim3A_18 : vector<1x4096xf32> to vector<1x1x4096xf32>
    %reduce_sum3A_22 = arith.constant dense<0.000000e+00> : vector<1xf32>
    %reduce_sum3A_23 = vector.multi_reduction <add>, %reduce_sum3A, %reduce_sum3A_22 [1, 2] : vector<1x1x4096xf32> to vector<1xf32>
    %reduce_sum3A_24 = vector.shape_cast %reduce_sum3A_23 : vector<1xf32> to vector<1x1x1xf32>
    %reduce_sum3A_25 = vector.extract %reduce_sum3A_24[0, 0, 0] : f32 from vector<1x1x1xf32>
    %reshape3A_26 = vector.broadcast %reduce_sum3A_25 : f32 to vector<1x1xf32>
    %eq3A_27 = arith.constant 0 : i32
    %eq3A_28 = arith.cmpi eq, %arg0, %eq3A_27 : i32
    %convert_element_type3A_29 = arith.extui %eq3A_28 : i1 to i32
    %cond3A_30 = arith.constant 0 : i32
    %cond3A_31 = arith.cmpi ne, %convert_element_type3A_29, %cond3A_30 : i32
    scf.if %cond3A_31 {
      %swap3A_36 = arith.constant 0 : index
      %swap3A_37 = arith.constant 0 : index
      %swap3A_38 = vector.load %arg4[%swap3A_36, %swap3A_37] : memref<1x1xf32, #tpu.memory_space<vmem>>, vector<1x1xf32>
      tpu.vector_store %arg4[%swap3A_36, %swap3A_37], %reshape3A_26 {strides = array<i32>} : memref<1x1xf32, #tpu.memory_space<vmem>>, vector<1x1xf32>,
    } else {
    }
    %ne3A = arith.constant 0 : i32
    %ne3A_32 = arith.cmpi ne, %arg0, %ne3A : i32
    %convert_element_type3A_33 = arith.extui %ne3A_32 : i1 to i32
    %cond3A_34 = arith.constant 0 : i32
    %cond3A_35 = arith.cmpi ne, %convert_element_type3A_33, %cond3A_34 : i32
    scf.if %cond3A_35 {
      %get3A_36 = arith.constant 0 : index
      %get3A_37 = arith.constant 0 : index
      %get3A_38 = vector.load %arg4[%get3A_36, %get3A_37] : memref<1x1xf32, #tpu.memory_space<vmem>>, vector<1x1xf32>
      %add3A_39 = arith.addf %get3A_38, %reshape3A_26 : vector<1x1xf32>
      %swap3A_40 = arith.constant 0 : index
      %swap3A_41 = arith.constant 0 : index
      %swap3A_42 = vector.load %arg4[%swap3A_40, %swap3A_41] : memref<1x1xf32, #tpu.memory_space<vmem>>, vector<1x1xf32>
      tpu.vector_store %arg4[%swap3A_40, %swap3A_41], %add3A_39 {strides = array<i32>} : memref<1x1xf32, #tpu.memory_space<vmem>>, vector<1x1xf32>,
    } else {
    }
    return
  }
  func.func @transform_0(%arg0: i32) -> (i32, i32) {
    %add3A = arith.constant 0 : i32
    %add3A_0 = arith.addi %arg0, %add3A : i32
    %c0_i32 = arith.constant 0 : i32
    %c0_i32_1 = arith.constant 0 : i32
    return %add3A_0, %c0_i32 : i32, i32
  }
  func.func @transform_1(%arg0: i32) -> (i32, i32) {
    %c0_i32 = arith.constant 0 : i32
    %c0_i32_0 = arith.constant 0 : i32
    %c0_i32_1 = arith.constant 0 : i32
    return %c0_i32, %c0_i32_0 : i32, i32
  }
  func.func @transform_2(%arg0: i32) -> (i32, i32, i32) {
    %c0_i32 = arith.constant 0 : i32
    %c0_i32_0 = arith.constant 0 : i32
    %c0_i32_1 = arith.constant 0 : i32
    return %arg0, %c0_i32, %c0_i32_0 : i32, i32, i32
  }
  func.func @transform_3(%arg0: i32) -> (i32, i32) {
    %c0_i32 = arith.constant 0 : i32
    %c0_i32_0 = arith.constant 0 : i32
    %c0_i32_1 = arith.constant 0 : i32
    return %c0_i32, %c0_i32_0 : i32, i32
  }
}

</mosaic_0001>

<sc_bundles>
// kernel: kernel.4.cloned.1.call-start
scs
__scs_entry_jumppad:
0x0: {  	(pc) =	sbr.rel $0x88, $3  }
0x1: {  	(tag) =	ssettag $0x0;
	lr =	simm.s32 $0x1  }
0x2: {  	[smem:$0x3F9F] =	sst lr;
	_ =	strace $0xD0000000  }
0x3: {  	_ = 	snop  }
0x4: {  	_ = 	snop  }
0x5: {  	_ = 	snop  }
0x6: {  	_ = 	snop  }
0x7: {  	_ = 	snop  }
__scs_overlays_trampoline_lowered:
0x8: {  	[smem:$0x3FAE] =	sst s0  }
0x9: {  	[smem:$0x3FAF] =	sst s1  }
0xa: {  	[smem:$0x3FB0] =	sst s2  }
0xb: {  	[smem:$0x3FB1] =	sst s3  }
0xc: {  	[smem:$0x3FB2] =	sst s4  }
0xd: {  	[smem:$0x3FB3] =	sst s5  }
0xe: {  	[smem:$0x3FB4] =	sst s6  }
0xf: {  	[smem:$0x3FB5] =	sst s7  }
0x10: {  	[smem:$0x3FB6] =	sst s8  }
0x11: {  	[smem:$0x3FB7] =	sst s9;
	s0 =	simm.s32 @!p0 $0x0  }
0x12: {  	s1 =	sld [smem:$0x3F9D];
	s0 =	simm.s32 @p0 $0x1  }
0x13: {  	[smem:$0x3FB8] =	sst s0;
	s0 =	simm.s32 @!p1 $0x0  }
0x14: {  	s2 =	sld [smem:$0x3F9C];
	s0 =	simm.s32 @p1 $0x1  }
0x15: {  	[smem:$0x3FB9] =	sst s0;
	s0 =	simm.s32 @!p2 $0x0  }
0x16: {  	s3 =	sld [smem:$0x3FDB];
	s0 =	simm.s32 @p2 $0x1  }
0x17: {  	s4 =	simm.s32 $0x1BF5;
	[smem:$0x3FBB] =	sst s0  }
0x18: {  	s0 =	sld [smem:$0x3F9E];
	_ =	swait.ge [sflag:s4], $0x0  }
0x19: {  	s7 =	sld [smem:$0x3F9F]  }
0x1a: {  	s8 =	sadd.s32 $0xFFFFE003, lr  }
0x1b: {  	s9 =	sadd.s32 $0xFFFFFEF7, lr;
	s5 =	simm.s32 $0xFFFFFFFF;
	p2 =	slt.u32 s8, $0xFFFFF086  }
0x1c: {  	p1 =	slt.u32 s9, $0xF7A;
	s5 =	simm.s32 @!p2 $0x0  }
0x1d: {  	s5 =	simm.s32 @p1 $0x1;
	p0 =	seq.s32 s7, s2  }
0x1e: {  	s7 =	smul.u32 @!p0 $0xF7A, s2;
	p2 =	seq.s32 @!p0 s5, $0x0  }
0x1f: {  	s9 =	smul.u32 $0xF7A, s1;
	s8 =	simm.s32 @!p0 $0x1BF5;
	p2 =	por !p2, p0  }
0x20: {  	[sflag:s8] =	ssyncset.s32 @!p0 $0xFFFFF086;
	s6 =	sadd.s32 @!p0 s3, s7;
	s7 =	simm.s32 @!p0 $0x108  }
0x21: {  	s3 =	sadd.s32 s3, s9;
	s6 =	sadd.s32 @!p0 $0x88, s6;
	s7 =	simm.s32 @p2 $0x1082  }
0x22: {  	[simem:s7], [sflag:s8] =	dma.local @!p0 [hbm:s6], $0xF7A  }
0x23: {  	s9 =	sor.u32 $0xD0000000, s2;
	s6 =	simm.s32 $0x108;
	_ =	swait.ge @!p0 [sflag:s8], $0x0  }
0x24: {  	s3 =	sadd.s32 $0x88, s3;
	s6 =	simm.s32 @!p1 $0x1082;
	[sflag:s4] =	ssyncset.s32 $0xFFFFF086  }
0x25: {  	[simem:s6], [sflag:s4] =	dma.local [hbm:s3], $0xF7A  }
0x26: {  	[smem:$0x3F9F] =	sst s1;
	(tag) =	ssettag s2;
	_ =	strace s9  }
0x27: {  	s1 =	sld [smem:$0x3FAF]  }
0x28: {  	s2 =	sld [smem:$0x3FB0]  }
0x29: {  	s4 =	sld [smem:$0x3FB2]  }
0x2a: {  	p0 =	seq.s32 s5, $0x0;
	s5 =	sld [smem:$0x3FB3]  }
0x2b: {  	s6 =	sld [smem:$0x3FB4]  }
0x2c: {  	s7 =	sld [smem:$0x3FB5]  }
0x2d: {  	s3 =	simm.s32 $0x108;
	s8 =	sld [smem:$0x3FB6]  }
0x2e: {  	s3 =	simm.s32 @!p0 $0x1082;
	s9 =	sld [smem:$0x3FB7]  }
0x2f: {  	lr =	sadd.s32 s0, s3;
	s0 =	sld [smem:$0x3FAE]  }
0x30: {  	s3 =	sld [smem:$0x3FB1]  }
0x31: {  	[smem:$0x3FBA] =	sst s10  }
0x32: {  	s10 =	sld [smem:$0x3FB8];
	_ =	sdelay $0x3  }
0x33: {  	p0 =	seq.s32 s10, $0x1;
	s10 =	sld [smem:$0x3FBA];
	_ =	sdelay $0x3  }
0x34: {  	[smem:$0x3FBA] =	sst s10  }
0x35: {  	s10 =	sld [smem:$0x3FB9];
	_ =	sdelay $0x3  }
0x36: {  	p1 =	seq.s32 s10, $0x1;
	s10 =	sld [smem:$0x3FBA];
	_ =	sdelay $0x3  }
0x37: {  	[smem:$0x3FBA] =	sst s10  }
0x38: {  	s10 =	sld [smem:$0x3FBB]  }
0x39: {  	_ = 	snop;
	(pc) =	sbr.ind lr, $3  }
0x3a: {  	_ = 	snop  }
0x3b: {  	_ = 	snop  }
0x3c: {  	p2 =	seq.s32 s10, $0x1;
	s10 =	sld [smem:$0x3FBA]  }
0x3d: {  	_ =	shalt  }
0x3e: {  	_ =	shalt  }
0x3f: {  	_ =	shalt  }
0x40: {  	_ =	shalt  }
0x41: {  	_ =	shalt  }
0x42: {  	_ =	shalt  }
0x43: {  	_ =	shalt  }
0x44: {  	_ =	shalt  }
0x45: {  	_ =	shalt  }
0x46: {  	_ =	shalt  }
0x47: {  	_ =	shalt  }
0x48: {  	_ =	shalt  }
0x49: {  	_ =	shalt  }
0x4a: {  	_ =	shalt  }
0x4b: {  	_ =	shalt  }
0x4c: {  	_ =	shalt  }
0x4d: {  	_ =	shalt  }
0x4e: {  	_ =	shalt  }
0x4f: {  	_ =	shalt  }
0x50: {  	_ =	shalt  }
0x51: {  	_ =	shalt  }
0x52: {  	_ =	shalt  }
0x53: {  	_ =	shalt  }
0x54: {  	_ =	shalt  }
0x55: {  	_ =	shalt  }
0x56: {  	_ =	shalt  }
0x57: {  	_ =	shalt  }
0x58: {  	_ =	shalt  }
0x59: {  	_ =	shalt  }
0x5a: {  	_ =	shalt  }
0x5b: {  	_ =	shalt  }
0x5c: {  	_ =	shalt  }
0x5d: {  	_ =	shalt  }
0x5e: {  	_ =	shalt  }
0x5f: {  	_ =	shalt  }
0x60: {  	_ =	shalt  }
0x61: {  	_ =	shalt  }
0x62: {  	_ =	shalt  }
0x63: {  	_ =	shalt  }
0x64: {  	_ =	shalt  }
0x65: {  	_ =	shalt  }
0x66: {  	_ =	shalt  }
0x67: {  	_ =	shalt  }
0x68: {  	_ =	shalt  }
0x69: {  	_ =	shalt  }
0x6a: {  	_ =	shalt  }
0x6b: {  	_ =	shalt  }
0x6c: {  	_ =	shalt  }
0x6d: {  	_ =	shalt  }
0x6e: {  	_ =	shalt  }
0x6f: {  	_ =	shalt  }
0x70: {  	_ =	shalt  }
0x71: {  	_ =	shalt  }
0x72: {  	_ =	shalt  }
0x73: {  	_ =	shalt  }
0x74: {  	_ =	shalt  }
0x75: {  	_ =	shalt  }
0x76: {  	_ =	shalt  }
0x77: {  	_ =	shalt  }
0x78: {  	_ =	shalt  }
0x79: {  	_ =	shalt  }
0x7a: {  	_ =	shalt  }
0x7b: {  	_ =	shalt  }
0x7c: {  	_ =	shalt  }
0x7d: {  	_ =	shalt  }
0x7e: {  	_ =	shalt  }
0x7f: {  	_ =	shalt  }
0x80: {  	_ =	shalt  }
0x81: {  	_ =	shalt  }
0x82: {  	_ =	shalt  }
0x83: {  	_ =	shalt  }
0x84: {  	_ =	shalt  }
0x85: {  	_ =	shalt  }
0x86: {  	_ =	shalt  }
0x87: {  	_ =	shalt  }
.Lfunc_end0:
.L_simem_size_0:
called_computation_lowered:
.L_overlay_start_0:
0x88: {  	s2 =	sld [smem:$0x3FD9]  }
0x89: {  	s3 =	sld [smem:$0x3FFE];
	_ =	sdelay $0x1  }
0x8a: {  	s1 =	srdreg.scid  }
0x8b: {  	s0 =	sand.u32 $0x1, s1  }
0x8c: {  	s14 =	sshll.u32 s0, $0xA;
	s2 =	sadd.s32 s3, s2  }
0x8d: {  	s2 =	sadd.s32 s2, s14  }
0x8e: {  	[smem:$0x3FC6] =	sst s2  }
0x8f: {  	_ = 	snop  }
0x90: {  	s2 =	sld [smem:$0x3FD0];
	_ =	sdelay $0x2  }
0x91: {  	s4 =	simm.s32 $0xA;
	s5 =	simm.s32 $0x10;
	s15 =	sld [smem:$0x3FC8]  }
0x92: {  	[smem:s5], [sflag:s4] =	dma.local [hbm:s2], $0x1  }
0x93: {  	_ =	swait.eq [sflag:s4], $0x1  }
0x94: {  	[sflag:s4] =	ssyncset.done $0x0  }
0x95: {  	[sflag:s4] =	ssyncadd.s32 $0xFFFFFFFF  }
0x96: {  	s16 =	sld [smem:$0x10];
	(tm) =	ssettm $0x1  }
0x97: {  	s17 =	sld [smem:$0x3FFB];
	_ =	sdelay $0x3  }
0x98: {  	_ =	strace s17  }
0x99: {  	s4 =	sld [smem:$0x3FFC];
	_ =	sdelay $0x3  }
0x9a: {  	_ =	strace s4  }
0x9b: {  	s4 =	sld [smem:$0x3FFD];
	_ =	sdelay $0x3  }
0x9c: {  	_ =	strace s4  }
0x9d: {  	_ =	strace $0x8FFFFFFF  }
0x9e: {  	s18 =	sld [smem:$0x3FDB];
	_ =	sdelay $0x1  }
0x9f: {  	s19 =	simm.s32 $_scs_section_size  }
0xa0: {  	s6 =	simm.s32 $_size__tile_overlayer_lowered;
	s7 =	simm.s32 $_tile_overlayer_lowered  }
0xa1: {  	s22 =	simm.s32 $0x1BFF;
	s21 =	sshll.u32 s7, $0x1;
	s4 =	sadd.s32 s19, s18  }
0xa2: {  	s8 =	simm.s32 $0x0;
	s20 =	sshll.u32 s6, $0x1;
	s6 =	sadd.s32 s21, s4  }
0xa3: {  	[timem:s8], [sflag:s22] =	dma.local [hbm:s6], s20  }
0xa4: {  	_ =	swait.ge [sflag:s22], s20  }
0xa5: {  	s5 =	ssub.s32 $0x0, s20;
	[sflag:s22] =	ssyncset.done $0x0  }
0xa6: {  	[sflag:s22] =	ssyncadd.s32 s5;
	_ =	sdelay $0x1  }
0xa7: {  	s23 =	simm.s32 $0x1B8B  }
0xa8: {  	_ =	swait.ge [sflag:s23], $0x1  }
0xa9: {  	[sflag:s23] =	ssyncset.done $0x0  }
0xaa: {  	s25 =	simm.s32 $0x1B8E;
	s24 =	sld [smem:$0x3FFE];
	[sflag:s23] =	ssyncadd.s32 $0xFFFFFFFF  }
0xab: {  	s26 =	simm.s32 $execute0_lowered;
	[smem:$0x3FD2] =	sst s25  }
0xac: {  	s6 =	sshll.u32 s26, $0x1;
	_ =	strace $0x80000046;
	[dreg:$0x1] =	wrdreg $0xFFFFFFFF  }
0xad: {  	s28 =	simm.s32 $_size_execute0_lowered;
	s4 =	sadd.s32 s4, s6;
	[dreg:$0x0] =	wrdreg $0x0  }
0xae: {  	s6 =	sshll.u32 s28, $0x1;
	[dreg:$0x2] =	wrdreg s4  }
0xaf: {  	[dreg:$0x3] =	wrdreg s6  }
0xb0: {  	[dreg:$0x4] =	wrdreg $0xC0  }
0xb1: {  	_ =	task [dreg:s8], $0x5FFFF  }
0xb2: {  	[dreg:$0x1] =	wrdreg $0xFFFFFFFF  }
0xb3: {  	[dreg:$0x0] =	wrdreg $0x60  }
0xb4: {  	[dreg:$0x2] =	wrdreg s15  }
0xb5: {  	[dreg:$0x3] =	wrdreg s24  }
0xb6: {  	[dreg:$0x4] =	wrdreg s16  }
0xb7: {  	[dreg:$0x5] =	wrdreg $0x9  }
0xb8: {  	_ =	task.clear_ibuf [dreg:s8], $0x6FFFF;
	_ =	strace $0x90000046  }
0xb9: {  	s29 =	simm.s32 $0x9;
	_ =	strace $0x80000048  }
0xba: {  	_ =	swait.ge [sflag:s29], $0x1  }
0xbb: {  	[sflag:s29] =	ssyncadd.s32 $0xFFFFFFFF  }
0xbc: {  	_ =	strace $0x90000048  }
0xbd: {  	_ =	sfence  }
0xbe: {  	s30 =	sld [smem:$0x0];
	_ =	sdelay $0x2  }
0xbf: {  	s31 =	sshll.u32 s1, $0xD;
	s1 =	sshrl.u32 s1, $0x2  }
0xc0: {  	s3 =	sand.u32 $0x4000, s31;
	s1 =	sadd.s32 s1, s30  }
0xc1: {  	s0 =	sor.u32 s3, s0;
	s1 =	sshll.u32 s1, $0x11  }
0xc2: {  	s0 =	sor.u32 s1, s0  }
0xc3: {  	s0 =	sadd.s32 $0x8F2B, s0  }
0xc4: {  	[sflag:s0] =	ssyncadd.remote.s32 $0x1  }
0xc5: {  	_ =	sfence.sel $0xFFFF  }
0xc6: {  	[dreg:$0x0] =	wrdreg $0xFFFFFFFF;
	(pc) =	sbr.abs _section_cstart, $3  }
0xc7: {  	[dreg:$0x1] =	wrdreg $0xFFFFFFFF  }
0xc8: {  	_ =	task.clear_ibuf [dreg:s8], $0x2FFFF;
	_ =	strace $0x9FFFFFFF  }
0xc9: {  	(tm) =	ssettm $0x7FFFFFFF  }
tec
execute0_lowered:
.L_overlay_start_1:
0x0: {  	(tag) =	ssettag $0x1  }
0x1: {  	s1 =	rddreg [dreg:$0x0]  }
0x2: {  	s0 =	srdreg.scid;
	s2 =	rddreg [dreg:$0x1]  }
0x3: {  	s3 =	stileid.u32;
	s5 =	rddreg [dreg:$0x2]  }
0x4: {  	s15 =	simm.s32 $0x3;
	s16 =	simm.s32 $0x2;
	s17 =	simm.s32 $0x4  }
0x5: {  	s19 =	simm.s32 $0x1200;
	s20 =	simm.s32 $0x1A00;
	s21 =	simm.s32 $0x2200  }
0x6: {  	s22 =	simm.s32 $0x2A00;
	s28 =	simm.s32 $0x4A00;
	s29 =	simm.s32 $0x5200  }
0x7: {  	s30 =	simm.s32 $0x5A00;
	s31 =	simm.s32 $0x6200;
	s8 =	simm.s32 $0x7A00  }
0x8: {  	s14 =	simm.s32 $0x8200;
	s9 =	simm.s32 $0x8A00;
	s10 =	simm.s32 $0x9200  }
0x9: {  	s11 =	simm.s32 $0x9A00;
	s13 =	simm.s32 $0xAA00;
	s0 =	sand.u32 $0x1, s0  }
0xa: {  	s7 =	simm.s32 $0xBA00;
	s3 =	sshll.u32 s3, $0xA;
	s4 =	sshll.u32 s0, $0x9  }
0xb: {  	s0 =	ssub.s32 $0x2, s0;
	s4 =	sor.u32 s4, s3;
	s3 =	simm.s32 $0x0  }
0xc: {  	s24 =	sshrl.u32 s0, $0x1;
	s6 =	sshrl.u32 s4, $0x3;
	s4 =	sshll.u32 s4, $0x5  }
0xd: {  	[smem:$0x7FF] =	sst s3;
	s2 =	sadd.s32 s6, s2;
	s4 =	sadd.s32 s5, s4  }
0xe: {  	_ =	strace $0x80000047;
	s2 =	sadd.s32 $0xA00, s2;
	[dreg:$0x8] =	wrdreg s4  }
0xf: {  	s0 =	ssub.s32 s0, s24;
	s23 =	sadd.s32 $0x1000, s4;
	[dreg:$0x4] =	wrdreg s2  }
0x10: {  	s24 =	simm.s32 $0x3200;
	s25 =	sadd.s32 $0x2000, s4;
	[dreg:$0x5] =	wrdreg s23  }
0x11: {  	v2 =	vlaneseq.u32;
	s5 =	smax.u32 s0, $0x1;
	s26 =	sadd.s32 $0x3000, s4;
	[dreg:$0x6] =	wrdreg s25  }
0x12: {  	vm0 =	vmmov $0xffff;
	v1 =	vshrl.u32 v2, $0x3;
	s4 =	simm.s32 $0x1;
	[dreg:$0x7] =	wrdreg s26;
	s25 =	simm.s32 $0x3A00  }
0x13: {  	v0 =	vand.u32 $0x7, v2;
	v2 =	vor.u32 $0x8, v2;
	v1 =	vmul.u32 $0x8, v1;
	s26 =	simm.s32 $0x4200;
	s2 =	simm.s32 $0x6A00;
	s23 =	simm.s32 $0x200  }
.LBB2_1:
0x14: {  	s18 =	rddreg [dreg:$0x4];
	s0 =	simm.s32 $0x5  }
0x15: {  	[tilespmem:s3], [sflag:$0x5] =	stream.linear.gather [hbm4b:s18+s3], $0x200, $0x38;
	[tilespmem:$0x10200] =	vst v63  }
0x16: {  	_ =	swait.ge [sflag:s0], $0x200  }
0x17: {  	[sflag:s0] =	ssyncset.done $0x0  }
0x18: {  	[sflag:s0] =	ssyncadd.s32 $0xFFFFFE00  }
0x19: {  	v3 =	vld [tilespmem:$0x0];
	_ =	sdelay $0x4  }
0x1a: {  	v4 =	vshll.u32 v3, $0x1  }
0x1b: {  	v3 =	vand.u32 $0x7, v3;
	v4 =	vand.u32 $0xFFFFFFF0, v4  }
0x1c: {  	v3 =	vor.u32 v3, v4  }
0x1d: {  	v4 =	vperm.xlane v3, v0;
	_ =	sdelay $0x1  }
0x1e: {  	v3 =	vperm.xlane v3, v2;
	v4 =	vadd.s32 v1, v4;
	_ =	sdelay $0x1  }
0x1f: {  	v3 =	vadd.s32 v1, v3;
	_ =	sdelay $0x1  }
0x20: {  	s18 =	simm.s32 $0x200  }
0x21: {  	[tilespmem:s18], [sflag:$0x1] =	stream.indirect_vreg.gather [hbm4b:s1+s3], $0x80, v4, vm0, $0xb8;
	[tilespmem:$0x10200] =	vst v63  }
0x22: {  	s18 =	simm.s32 $0xA00  }
0x23: {  	[tilespmem:s18], [sflag:$0x1] =	stream.indirect_vreg.gather [hbm4b:s1+s3], $0x80, v3, vm0, $0xb8;
	[tilespmem:$0x10200] =	vst v63  }
0x24: {  	v3 =	vld [tilespmem:$0x10];
	_ =	sdelay $0x4  }
0x25: {  	v33 =	vshll.u32 v3, $0x1  }
0x26: {  	v3 =	vand.u32 $0x7, v3;
	v4 =	vand.u32 $0xFFFFFFF0, v33  }
0x27: {  	v3 =	vor.u32 v3, v4  }
0x28: {  	v4 =	vperm.xlane v3, v0;
	_ =	sdelay $0x1  }
0x29: {  	v3 =	vperm.xlane v3, v2;
	v4 =	vadd.s32 v1, v4;
	_ =	sdelay $0x1  }
0x2a: {  	v3 =	vadd.s32 v1, v3;
	_ =	sdelay $0x2  }
0x2b: {  	[tilespmem:s19], [sflag:$0x1] =	stream.indirect_vreg.gather [hbm4b:s1+s3], $0x80, v4, vm0, $0xb8;
	[tilespmem:$0x10200] =	vst v63  }
0x2c: {  	_ = 	snop  }
0x2d: {  	[tilespmem:s20], [sflag:$0x1] =	stream.indirect_vreg.gather [hbm4b:s1+s3], $0x80, v3, vm0, $0xb8;
	[tilespmem:$0x10200] =	vst v63  }
0x2e: {  	v3 =	vld [tilespmem:$0x20];
	_ =	sdelay $0x4  }
0x2f: {  	v34 =	vshll.u32 v3, $0x1  }
0x30: {  	v3 =	vand.u32 $0x7, v3;
	v4 =	vand.u32 $0xFFFFFFF0, v34  }
0x31: {  	v3 =	vor.u32 v3, v4  }
0x32: {  	v4 =	vperm.xlane v3, v0;
	_ =	sdelay $0x1  }
0x33: {  	v3 =	vperm.xlane v3, v2;
	v4 =	vadd.s32 v1, v4;
	_ =	sdelay $0x1  }
0x34: {  	v3 =	vadd.s32 v1, v3;
	_ =	sdelay $0x2  }
0x35: {  	[tilespmem:s21], [sflag:$0x1] =	stream.indirect_vreg.gather [hbm4b:s1+s3], $0x80, v4, vm0, $0xb8;
	[tilespmem:$0x10200] =	vst v63  }
0x36: {  	_ = 	snop  }
0x37: {  	[tilespmem:s22], [sflag:$0x1] =	stream.indirect_vreg.gather [hbm4b:s1+s3], $0x80, v3, vm0, $0xb8;
	[tilespmem:$0x10200] =	vst v63  }
0x38: {  	v3 =	vld [tilespmem:$0x30];
	_ =	sdelay $0x4  }
0x39: {  	v35 =	vshll.u32 v3, $0x1  }
0x3a: {  	v3 =	vand.u32 $0x7, v3;
	v4 =	vand.u32 $0xFFFFFFF0, v35  }
0x3b: {  	v3 =	vor.u32 v3, v4  }
0x3c: {  	v4 =	vperm.xlane v3, v0;
	_ =	sdelay $0x1  }
0x3d: {  	v3 =	vperm.xlane v3, v2;
	v4 =	vadd.s32 v1, v4;
	_ =	sdelay $0x1  }
0x3e: {  	v3 =	vadd.s32 v1, v3;
	_ =	sdelay $0x2  }
0x3f: {  	[tilespmem:s24], [sflag:$0x1] =	stream.indirect_vreg.gather [hbm4b:s1+s3], $0x80, v4, vm0, $0xb8;
	[tilespmem:$0x10200] =	vst v63  }
0x40: {  	_ = 	snop  }
0x41: {  	[tilespmem:s25], [sflag:$0x1] =	stream.indirect_vreg.gather [hbm4b:s1+s3], $0x80, v3, vm0, $0xb8;
	[tilespmem:$0x10200] =	vst v63  }
0x42: {  	v3 =	vld [tilespmem:$0x40];
	_ =	sdelay $0x4  }
0x43: {  	v36 =	vshll.u32 v3, $0x1  }
0x44: {  	v3 =	vand.u32 $0x7, v3;
	v4 =	vand.u32 $0xFFFFFFF0, v36  }
0x45: {  	v3 =	vor.u32 v3, v4  }
0x46: {  	v4 =	vperm.xlane v3, v0;
	_ =	sdelay $0x1  }
0x47: {  	v3 =	vperm.xlane v3, v2;
	v4 =	vadd.s32 v1, v4;
	_ =	sdelay $0x1  }
0x48: {  	v3 =	vadd.s32 v1, v3;
	_ =	sdelay $0x2  }
0x49: {  	[tilespmem:s26], [sflag:$0x1] =	stream.indirect_vreg.gather [hbm4b:s1+s3], $0x80, v4, vm0, $0xb8;
	[tilespmem:$0x10200] =	vst v63  }
0x4a: {  	_ = 	snop  }
0x4b: {  	[tilespmem:s28], [sflag:$0x1] =	stream.indirect_vreg.gather [hbm4b:s1+s3], $0x80, v3, vm0, $0xb8;
	[tilespmem:$0x10200] =	vst v63  }
0x4c: {  	v3 =	vld [tilespmem:$0x50];
	_ =	sdelay $0x4  }
0x4d: {  	v37 =	vshll.u32 v3, $0x1  }
0x4e: {  	v3 =	vand.u32 $0x7, v3;
	v4 =	vand.u32 $0xFFFFFFF0, v37  }
0x4f: {  	v3 =	vor.u32 v3, v4  }
0x50: {  	v4 =	vperm.xlane v3, v0;
	_ =	sdelay $0x1  }
0x51: {  	v3 =	vperm.xlane v3, v2;
	v4 =	vadd.s32 v1, v4;
	_ =	sdelay $0x1  }
0x52: {  	v3 =	vadd.s32 v1, v3;
	_ =	sdelay $0x2  }
0x53: {  	[tilespmem:s29], [sflag:$0x1] =	stream.indirect_vreg.gather [hbm4b:s1+s3], $0x80, v4, vm0, $0xb8;
	[tilespmem:$0x10200] =	vst v63  }
0x54: {  	_ = 	snop  }
0x55: {  	[tilespmem:s30], [sflag:$0x1] =	stream.indirect_vreg.gather [hbm4b:s1+s3], $0x80, v3, vm0, $0xb8;
	[tilespmem:$0x10200] =	vst v63  }
0x56: {  	v3 =	vld [tilespmem:$0x60];
	_ =	sdelay $0x4  }
0x57: {  	v38 =	vshll.u32 v3, $0x1  }
0x58: {  	v3 =	vand.u32 $0x7, v3;
	v4 =	vand.u32 $0xFFFFFFF0, v38  }
0x59: {  	v3 =	vor.u32 v3, v4  }
0x5a: {  	v4 =	vperm.xlane v3, v0;
	_ =	sdelay $0x1  }
0x5b: {  	v3 =	vperm.xlane v3, v2;
	v4 =	vadd.s32 v1, v4;
	_ =	sdelay $0x1  }
0x5c: {  	v3 =	vadd.s32 v1, v3;
	_ =	sdelay $0x2  }
0x5d: {  	[tilespmem:s31], [sflag:$0x1] =	stream.indirect_vreg.gather [hbm4b:s1+s3], $0x80, v4, vm0, $0xb8;
	[tilespmem:$0x10200] =	vst v63  }
0x5e: {  	_ = 	snop  }
0x5f: {  	[tilespmem:s2], [sflag:$0x1] =	stream.indirect_vreg.gather [hbm4b:s1+s3], $0x80, v3, vm0, $0xb8;
	[tilespmem:$0x10200] =	vst v63  }
0x60: {  	v3 =	vld [tilespmem:$0x70];
	_ =	sdelay $0x4  }
0x61: {  	v39 =	vshll.u32 v3, $0x1  }
0x62: {  	v3 =	vand.u32 $0x7, v3;
	v4 =	vand.u32 $0xFFFFFFF0, v39  }
0x63: {  	v3 =	vor.u32 v3, v4  }
0x64: {  	v4 =	vperm.xlane v3, v0;
	_ =	sdelay $0x1  }
0x65: {  	v3 =	vperm.xlane v3, v2;
	v4 =	vadd.s32 v1, v4;
	_ =	sdelay $0x1  }
0x66: {  	v3 =	vadd.s32 v1, v3;
	_ =	sdelay $0x1  }
0x67: {  	s0 =	simm.s32 $0x7200  }
0x68: {  	[tilespmem:s0], [sflag:$0x1] =	stream.indirect_vreg.gather [hbm4b:s1+s3], $0x80, v4, vm0, $0xb8;
	[tilespmem:$0x10200] =	vst v63  }
0x69: {  	_ = 	snop  }
0x6a: {  	[tilespmem:s8], [sflag:$0x1] =	stream.indirect_vreg.gather [hbm4b:s1+s3], $0x80, v3, vm0, $0xb8;
	[tilespmem:$0x10200] =	vst v63  }
0x6b: {  	v3 =	vld [tilespmem:$0x80];
	_ =	sdelay $0x4  }
0x6c: {  	v40 =	vshll.u32 v3, $0x1  }
0x6d: {  	v3 =	vand.u32 $0x7, v3;
	v4 =	vand.u32 $0xFFFFFFF0, v40  }
0x6e: {  	v3 =	vor.u32 v3, v4  }
0x6f: {  	v4 =	vperm.xlane v3, v0;
	_ =	sdelay $0x1  }
0x70: {  	v3 =	vperm.xlane v3, v2;
	v4 =	vadd.s32 v1, v4;
	_ =	sdelay $0x1  }
0x71: {  	v3 =	vadd.s32 v1, v3;
	_ =	sdelay $0x2  }
0x72: {  	[tilespmem:s14], [sflag:$0x2] =	stream.indirect_vreg.gather [hbm4b:s1+s3], $0x80, v4, vm0, $0xb8;
	[tilespmem:$0x10200] =	vst v63  }
0x73: {  	_ = 	snop  }
0x74: {  	[tilespmem:s9], [sflag:$0x2] =	stream.indirect_vreg.gather [hbm4b:s1+s3], $0x80, v3, vm0, $0xb8;
	[tilespmem:$0x10200] =	vst v63  }
0x75: {  	v3 =	vld [tilespmem:$0x90];
	_ =	sdelay $0x4  }
0x76: {  	v41 =	vshll.u32 v3, $0x1  }
0x77: {  	v3 =	vand.u32 $0x7, v3;
	v4 =	vand.u32 $0xFFFFFFF0, v41  }
0x78: {  	v3 =	vor.u32 v3, v4  }
0x79: {  	v4 =	vperm.xlane v3, v0;
	_ =	sdelay $0x1  }
0x7a: {  	v3 =	vperm.xlane v3, v2;
	v4 =	vadd.s32 v1, v4;
	_ =	sdelay $0x1  }
0x7b: {  	v3 =	vadd.s32 v1, v3;
	_ =	sdelay $0x2  }
0x7c: {  	[tilespmem:s10], [sflag:$0x2] =	stream.indirect_vreg.gather [hbm4b:s1+s3], $0x80, v4, vm0, $0xb8;
	[tilespmem:$0x10200] =	vst v63  }
0x7d: {  	_ = 	snop  }
0x7e: {  	[tilespmem:s11], [sflag:$0x2] =	stream.indirect_vreg.gather [hbm4b:s1+s3], $0x80, v3, vm0, $0xb8;
	[tilespmem:$0x10200] =	vst v63  }
0x7f: {  	v3 =	vld [tilespmem:$0xA0];
	_ =	sdelay $0x4  }
0x80: {  	v42 =	vshll.u32 v3, $0x1  }
0x81: {  	v3 =	vand.u32 $0x7, v3;
	v4 =	vand.u32 $0xFFFFFFF0, v42  }
0x82: {  	v3 =	vor.u32 v3, v4  }
0x83: {  	v4 =	vperm.xlane v3, v0;
	_ =	sdelay $0x1  }
0x84: {  	v3 =	vperm.xlane v3, v2;
	v4 =	vadd.s32 v1, v4;
	_ =	sdelay $0x1  }
0x85: {  	v3 =	vadd.s32 v1, v3;
	_ =	sdelay $0x1  }
0x86: {  	s6 =	simm.s32 $0xA200  }
0x87: {  	[tilespmem:s6], [sflag:$0x2] =	stream.indirect_vreg.gather [hbm4b:s1+s3], $0x80, v4, vm0, $0xb8;
	[tilespmem:$0x10200] =	vst v63  }
0x88: {  	_ = 	snop  }
0x89: {  	[tilespmem:s13], [sflag:$0x2] =	stream.indirect_vreg.gather [hbm4b:s1+s3], $0x80, v3, vm0, $0xb8;
	[tilespmem:$0x10200] =	vst v63  }
0x8a: {  	v3 =	vld [tilespmem:$0xB0];
	_ =	sdelay $0x4  }
0x8b: {  	v43 =	vshll.u32 v3, $0x1  }
0x8c: {  	v3 =	vand.u32 $0x7, v3;
	v4 =	vand.u32 $0xFFFFFFF0, v43  }
0x8d: {  	v3 =	vor.u32 v3, v4  }
0x8e: {  	v4 =	vperm.xlane v3, v0;
	_ =	sdelay $0x1  }
0x8f: {  	v3 =	vperm.xlane v3, v2;
	v4 =	vadd.s32 v1, v4;
	_ =	sdelay $0x1  }
0x90: {  	v3 =	vadd.s32 v1, v3;
	_ =	sdelay $0x1  }
0x91: {  	s6 =	simm.s32 $0xB200  }
0x92: {  	[tilespmem:s6], [sflag:$0x2] =	stream.indirect_vreg.gather [hbm4b:s1+s3], $0x80, v4, vm0, $0xb8;
	[tilespmem:$0x10200] =	vst v63  }
0x93: {  	_ = 	snop  }
0x94: {  	[tilespmem:s7], [sflag:$0x2] =	stream.indirect_vreg.gather [hbm4b:s1+s3], $0x80, v3, vm0, $0xb8;
	[tilespmem:$0x10200] =	vst v63  }
0x95: {  	v3 =	vld [tilespmem:$0xC0];
	_ =	sdelay $0x4  }
0x96: {  	v44 =	vshll.u32 v3, $0x1  }
0x97: {  	v3 =	vand.u32 $0x7, v3;
	v4 =	vand.u32 $0xFFFFFFF0, v44  }
0x98: {  	v3 =	vor.u32 v3, v4  }
0x99: {  	v4 =	vperm.xlane v3, v0;
	_ =	sdelay $0x1  }
0x9a: {  	v3 =	vperm.xlane v3, v2;
	v4 =	vadd.s32 v1, v4;
	_ =	sdelay $0x1  }
0x9b: {  	v3 =	vadd.s32 v1, v3;
	_ =	sdelay $0x1  }
0x9c: {  	s12 =	simm.s32 $0xC200  }
0x9d: {  	[tilespmem:s12], [sflag:$0x2] =	stream.indirect_vreg.gather [hbm4b:s1+s3], $0x80, v4, vm0, $0xb8;
	[tilespmem:$0x10200] =	vst v63  }
0x9e: {  	s12 =	simm.s32 $0xCA00  }
0x9f: {  	[tilespmem:s12], [sflag:$0x2] =	stream.indirect_vreg.gather [hbm4b:s1+s3], $0x80, v3, vm0, $0xb8;
	[tilespmem:$0x10200] =	vst v63  }
0xa0: {  	v3 =	vld [tilespmem:$0xD0];
	_ =	sdelay $0x4  }
0xa1: {  	v45 =	vshll.u32 v3, $0x1  }
0xa2: {  	v3 =	vand.u32 $0x7, v3;
	v4 =	vand.u32 $0xFFFFFFF0, v45  }
0xa3: {  	v3 =	vor.u32 v3, v4  }
0xa4: {  	v4 =	vperm.xlane v3, v0;
	_ =	sdelay $0x1  }
0xa5: {  	v3 =	vperm.xlane v3, v2;
	v4 =	vadd.s32 v1, v4;
	_ =	sdelay $0x1  }
0xa6: {  	v3 =	vadd.s32 v1, v3;
	_ =	sdelay $0x1  }
0xa7: {  	s12 =	simm.s32 $0xD200  }
0xa8: {  	[tilespmem:s12], [sflag:$0x2] =	stream.indirect_vreg.gather [hbm4b:s1+s3], $0x80, v4, vm0, $0xb8;
	[tilespmem:$0x10200] =	vst v63  }
0xa9: {  	s12 =	simm.s32 $0xDA00  }
0xaa: {  	[tilespmem:s12], [sflag:$0x2] =	stream.indirect_vreg.gather [hbm4b:s1+s3], $0x80, v3, vm0, $0xb8;
	[tilespmem:$0x10200] =	vst v63  }
0xab: {  	v3 =	vld [tilespmem:$0xE0];
	_ =	sdelay $0x4  }
0xac: {  	v46 =	vshll.u32 v3, $0x1  }
0xad: {  	v3 =	vand.u32 $0x7, v3;
	v4 =	vand.u32 $0xFFFFFFF0, v46  }
0xae: {  	v3 =	vor.u32 v3, v4  }
0xaf: {  	v4 =	vperm.xlane v3, v0;
	_ =	sdelay $0x1  }
0xb0: {  	v3 =	vperm.xlane v3, v2;
	v4 =	vadd.s32 v1, v4;
	_ =	sdelay $0x1  }
0xb1: {  	v3 =	vadd.s32 v1, v3;
	_ =	sdelay $0x1  }
0xb2: {  	s12 =	simm.s32 $0xE200  }
0xb3: {  	[tilespmem:s12], [sflag:$0x2] =	stream.indirect_vreg.gather [hbm4b:s1+s3], $0x80, v4, vm0, $0xb8;
	[tilespmem:$0x10200] =	vst v63  }
0xb4: {  	s12 =	simm.s32 $0xEA00  }
0xb5: {  	[tilespmem:s12], [sflag:$0x2] =	stream.indirect_vreg.gather [hbm4b:s1+s3], $0x80, v3, vm0, $0xb8;
	[tilespmem:$0x10200] =	vst v63  }
0xb6: {  	v3 =	vld [tilespmem:$0xF0];
	_ =	sdelay $0x4  }
0xb7: {  	v47 =	vshll.u32 v3, $0x1  }
0xb8: {  	v3 =	vand.u32 $0x7, v3;
	v4 =	vand.u32 $0xFFFFFFF0, v47  }
0xb9: {  	v3 =	vor.u32 v3, v4  }
0xba: {  	v4 =	vperm.xlane v3, v0;
	_ =	sdelay $0x1  }
0xbb: {  	v3 =	vperm.xlane v3, v2;
	v4 =	vadd.s32 v1, v4;
	_ =	sdelay $0x1  }
0xbc: {  	v3 =	vadd.s32 v1, v3;
	_ =	sdelay $0x1  }
0xbd: {  	s12 =	simm.s32 $0xF200  }
0xbe: {  	[tilespmem:s12], [sflag:$0x2] =	stream.indirect_vreg.gather [hbm4b:s1+s3], $0x80, v4, vm0, $0xb8;
	[tilespmem:$0x10200] =	vst v63  }
0xbf: {  	s12 =	simm.s32 $0xFA00  }
0xc0: {  	[tilespmem:s12], [sflag:$0x2] =	stream.indirect_vreg.gather [hbm4b:s1+s3], $0x80, v3, vm0, $0xb8;
	[tilespmem:$0x10200] =	vst v63  }
0xc1: {  	_ =	swait.ge [sflag:s4], $0x8000  }
0xc2: {  	[sflag:s4] =	ssyncset.done $0x0  }
0xc3: {  	s12 =	rddreg [dreg:$0x8];
	[sflag:s4] =	ssyncadd.s32 $0xFFFF8000  }
0xc4: {  	[hbm4b:s12+s3] =	stream.linear.scatter [tilespmem:s23], [sflag:$0x3], $0x8000, $0x38;
	[tilespmem:$0x10200] =	vst v63  }
0xc5: {  	_ =	swait.ge [sflag:s15], $0x8000  }
0xc6: {  	[sflag:s15] =	ssyncset.done $0x0  }
0xc7: {  	[sflag:s15] =	ssyncadd.s32 $0xFFFF8000  }
0xc8: {  	v3 =	vld [tilespmem:$0x100];
	_ =	sdelay $0x4  }
0xc9: {  	v48 =	vshll.u32 v3, $0x1  }
0xca: {  	v3 =	vand.u32 $0x7, v3;
	v4 =	vand.u32 $0xFFFFFFF0, v48  }
0xcb: {  	v3 =	vor.u32 v3, v4  }
0xcc: {  	v4 =	vperm.xlane v3, v0;
	_ =	sdelay $0x1  }
0xcd: {  	v3 =	vperm.xlane v3, v2;
	v4 =	vadd.s32 v1, v4;
	_ =	sdelay $0x1  }
0xce: {  	v3 =	vadd.s32 v1, v3;
	_ =	sdelay $0x2  }
0xcf: {  	[tilespmem:s23], [sflag:$0x1] =	stream.indirect_vreg.gather [hbm4b:s1+s3], $0x80, v4, vm0, $0xb8;
	[tilespmem:$0x10200] =	vst v63  }
0xd0: {  	_ = 	snop  }
0xd1: {  	[tilespmem:s18], [sflag:$0x1] =	stream.indirect_vreg.gather [hbm4b:s1+s3], $0x80, v3, vm0, $0xb8;
	[tilespmem:$0x10200] =	vst v63  }
0xd2: {  	v3 =	vld [tilespmem:$0x110];
	_ =	sdelay $0x4  }
0xd3: {  	v49 =	vshll.u32 v3, $0x1  }
0xd4: {  	v3 =	vand.u32 $0x7, v3;
	v4 =	vand.u32 $0xFFFFFFF0, v49  }
0xd5: {  	v3 =	vor.u32 v3, v4  }
0xd6: {  	v4 =	vperm.xlane v3, v0;
	_ =	sdelay $0x1  }
0xd7: {  	v3 =	vperm.xlane v3, v2;
	v4 =	vadd.s32 v1, v4;
	_ =	sdelay $0x1  }
0xd8: {  	v3 =	vadd.s32 v1, v3;
	_ =	sdelay $0x2  }
0xd9: {  	[tilespmem:s19], [sflag:$0x1] =	stream.indirect_vreg.gather [hbm4b:s1+s3], $0x80, v4, vm0, $0xb8;
	[tilespmem:$0x10200] =	vst v63  }
0xda: {  	_ = 	snop  }
0xdb: {  	[tilespmem:s20], [sflag:$0x1] =	stream.indirect_vreg.gather [hbm4b:s1+s3], $0x80, v3, vm0, $0xb8;
	[tilespmem:$0x10200] =	vst v63  }
0xdc: {  	v3 =	vld [tilespmem:$0x120];
	_ =	sdelay $0x4  }
0xdd: {  	v50 =	vshll.u32 v3, $0x1  }
0xde: {  	v3 =	vand.u32 $0x7, v3;
	v4 =	vand.u32 $0xFFFFFFF0, v50  }
0xdf: {  	v3 =	vor.u32 v3, v4  }
0xe0: {  	v4 =	vperm.xlane v3, v0;
	_ =	sdelay $0x1  }
0xe1: {  	v3 =	vperm.xlane v3, v2;
	v4 =	vadd.s32 v1, v4;
	_ =	sdelay $0x1  }
0xe2: {  	v3 =	vadd.s32 v1, v3;
	_ =	sdelay $0x2  }
0xe3: {  	[tilespmem:s21], [sflag:$0x1] =	stream.indirect_vreg.gather [hbm4b:s1+s3], $0x80, v4, vm0, $0xb8;
	[tilespmem:$0x10200] =	vst v63  }
0xe4: {  	_ = 	snop  }
0xe5: {  	[tilespmem:s22], [sflag:$0x1] =	stream.indirect_vreg.gather [hbm4b:s1+s3], $0x80, v3, vm0, $0xb8;
	[tilespmem:$0x10200] =	vst v63  }
0xe6: {  	v3 =	vld [tilespmem:$0x130];
	_ =	sdelay $0x4  }
0xe7: {  	v51 =	vshll.u32 v3, $0x1  }
0xe8: {  	v3 =	vand.u32 $0x7, v3;
	v4 =	vand.u32 $0xFFFFFFF0, v51  }
0xe9: {  	v3 =	vor.u32 v3, v4  }
0xea: {  	v4 =	vperm.xlane v3, v0;
	_ =	sdelay $0x1  }
0xeb: {  	v3 =	vperm.xlane v3, v2;
	v4 =	vadd.s32 v1, v4;
	_ =	sdelay $0x1  }
0xec: {  	v3 =	vadd.s32 v1, v3;
	_ =	sdelay $0x2  }
0xed: {  	[tilespmem:s24], [sflag:$0x1] =	stream.indirect_vreg.gather [hbm4b:s1+s3], $0x80, v4, vm0, $0xb8;
	[tilespmem:$0x10200] =	vst v63  }
0xee: {  	_ = 	snop  }
0xef: {  	[tilespmem:s25], [sflag:$0x1] =	stream.indirect_vreg.gather [hbm4b:s1+s3], $0x80, v3, vm0, $0xb8;
	[tilespmem:$0x10200] =	vst v63  }
0xf0: {  	v3 =	vld [tilespmem:$0x140];
	_ =	sdelay $0x4  }
0xf1: {  	v52 =	vshll.u32 v3, $0x1  }
0xf2: {  	v3 =	vand.u32 $0x7, v3;
	v4 =	vand.u32 $0xFFFFFFF0, v52  }
0xf3: {  	v3 =	vor.u32 v3, v4  }
0xf4: {  	v4 =	vperm.xlane v3, v0;
	_ =	sdelay $0x1  }
0xf5: {  	v3 =	vperm.xlane v3, v2;
	v4 =	vadd.s32 v1, v4;
	_ =	sdelay $0x1  }
0xf6: {  	v3 =	vadd.s32 v1, v3;
	_ =	sdelay $0x2  }
0xf7: {  	[tilespmem:s26], [sflag:$0x1] =	stream.indirect_vreg.gather [hbm4b:s1+s3], $0x80, v4, vm0, $0xb8;
	[tilespmem:$0x10200] =	vst v63  }
0xf8: {  	_ = 	snop  }
0xf9: {  	[tilespmem:s28], [sflag:$0x1] =	stream.indirect_vreg.gather [hbm4b:s1+s3], $0x80, v3, vm0, $0xb8;
	[tilespmem:$0x10200] =	vst v63  }
0xfa: {  	v3 =	vld [tilespmem:$0x150];
	_ =	sdelay $0x4  }
0xfb: {  	v53 =	vshll.u32 v3, $0x1  }
0xfc: {  	v3 =	vand.u32 $0x7, v3;
	v4 =	vand.u32 $0xFFFFFFF0, v53  }
0xfd: {  	v3 =	vor.u32 v3, v4  }
0xfe: {  	v4 =	vperm.xlane v3, v0;
	_ =	sdelay $0x1  }
0xff: {  	v3 =	vperm.xlane v3, v2;
	v4 =	vadd.s32 v1, v4;
	_ =	sdelay $0x1  }
0x100: {  	v3 =	vadd.s32 v1, v3;
	_ =	sdelay $0x2  }
0x101: {  	[tilespmem:s29], [sflag:$0x1] =	stream.indirect_vreg.gather [hbm4b:s1+s3], $0x80, v4, vm0, $0xb8;
	[tilespmem:$0x10200] =	vst v63  }
0x102: {  	_ = 	snop  }
0x103: {  	[tilespmem:s30], [sflag:$0x1] =	stream.indirect_vreg.gather [hbm4b:s1+s3], $0x80, v3, vm0, $0xb8;
	[tilespmem:$0x10200] =	vst v63  }
0x104: {  	v3 =	vld [tilespmem:$0x160];
	_ =	sdelay $0x4  }
0x105: {  	v54 =	vshll.u32 v3, $0x1  }
0x106: {  	v3 =	vand.u32 $0x7, v3;
	v4 =	vand.u32 $0xFFFFFFF0, v54  }
0x107: {  	v3 =	vor.u32 v3, v4  }
0x108: {  	v4 =	vperm.xlane v3, v0;
	_ =	sdelay $0x1  }
0x109: {  	v3 =	vperm.xlane v3, v2;
	v4 =	vadd.s32 v1, v4;
	_ =	sdelay $0x1  }
0x10a: {  	v3 =	vadd.s32 v1, v3;
	_ =	sdelay $0x2  }
0x10b: {  	[tilespmem:s31], [sflag:$0x1] =	stream.indirect_vreg.gather [hbm4b:s1+s3], $0x80, v4, vm0, $0xb8;
	[tilespmem:$0x10200] =	vst v63  }
0x10c: {  	_ = 	snop  }
0x10d: {  	[tilespmem:s2], [sflag:$0x1] =	stream.indirect_vreg.gather [hbm4b:s1+s3], $0x80, v3, vm0, $0xb8;
	[tilespmem:$0x10200] =	vst v63  }
0x10e: {  	v3 =	vld [tilespmem:$0x170];
	_ =	sdelay $0x4  }
0x10f: {  	v55 =	vshll.u32 v3, $0x1  }
0x110: {  	v3 =	vand.u32 $0x7, v3;
	v4 =	vand.u32 $0xFFFFFFF0, v55  }
0x111: {  	v3 =	vor.u32 v3, v4  }
0x112: {  	v4 =	vperm.xlane v3, v0;
	_ =	sdelay $0x1  }
0x113: {  	v3 =	vperm.xlane v3, v2;
	v4 =	vadd.s32 v1, v4;
	_ =	sdelay $0x1  }
0x114: {  	v3 =	vadd.s32 v1, v3;
	_ =	sdelay $0x2  }
0x115: {  	[tilespmem:s0], [sflag:$0x1] =	stream.indirect_vreg.gather [hbm4b:s1+s3], $0x80, v4, vm0, $0xb8;
	[tilespmem:$0x10200] =	vst v63  }
0x116: {  	_ = 	snop  }
0x117: {  	[tilespmem:s8], [sflag:$0x1] =	stream.indirect_vreg.gather [hbm4b:s1+s3], $0x80, v3, vm0, $0xb8;
	[tilespmem:$0x10200] =	vst v63  }
0x118: {  	_ =	swait.ge [sflag:s16], $0x8000  }
0x119: {  	[sflag:s16] =	ssyncset.done $0x0  }
0x11a: {  	s0 =	rddreg [dreg:$0x5];
	[sflag:s16] =	ssyncadd.s32 $0xFFFF8000  }
0x11b: {  	[hbm4b:s0+s3] =	stream.linear.scatter [tilespmem:s14], [sflag:$0x4], $0x8000, $0x38;
	[tilespmem:$0x10200] =	vst v63  }
0x11c: {  	_ =	swait.ge [sflag:s17], $0x8000  }
0x11d: {  	[sflag:s17] =	ssyncset.done $0x0  }
0x11e: {  	[sflag:s17] =	ssyncadd.s32 $0xFFFF8000  }
0x11f: {  	v3 =	vld [tilespmem:$0x180];
	_ =	sdelay $0x4  }
0x120: {  	v56 =	vshll.u32 v3, $0x1  }
0x121: {  	v3 =	vand.u32 $0x7, v3;
	v4 =	vand.u32 $0xFFFFFFF0, v56  }
0x122: {  	v3 =	vor.u32 v3, v4  }
0x123: {  	v4 =	vperm.xlane v3, v0;
	_ =	sdelay $0x1  }
0x124: {  	v3 =	vperm.xlane v3, v2;
	v4 =	vadd.s32 v1, v4;
	_ =	sdelay $0x1  }
0x125: {  	v3 =	vadd.s32 v1, v3;
	_ =	sdelay $0x2  }
0x126: {  	[tilespmem:s14], [sflag:$0x2] =	stream.indirect_vreg.gather [hbm4b:s1+s3], $0x80, v4, vm0, $0xb8;
	[tilespmem:$0x10200] =	vst v63  }
0x127: {  	_ = 	snop  }
0x128: {  	[tilespmem:s9], [sflag:$0x2] =	stream.indirect_vreg.gather [hbm4b:s1+s3], $0x80, v3, vm0, $0xb8;
	[tilespmem:$0x10200] =	vst v63  }
0x129: {  	v3 =	vld [tilespmem:$0x190];
	_ =	sdelay $0x4  }
0x12a: {  	v57 =	vshll.u32 v3, $0x1  }
0x12b: {  	v3 =	vand.u32 $0x7, v3;
	v4 =	vand.u32 $0xFFFFFFF0, v57  }
0x12c: {  	v3 =	vor.u32 v3, v4  }
0x12d: {  	v4 =	vperm.xlane v3, v0;
	_ =	sdelay $0x1  }
0x12e: {  	v3 =	vperm.xlane v3, v2;
	v4 =	vadd.s32 v1, v4;
	_ =	sdelay $0x1  }
0x12f: {  	v3 =	vadd.s32 v1, v3;
	_ =	sdelay $0x2  }
0x130: {  	[tilespmem:s10], [sflag:$0x2] =	stream.indirect_vreg.gather [hbm4b:s1+s3], $0x80, v4, vm0, $0xb8;
	[tilespmem:$0x10200] =	vst v63  }
0x131: {  	_ = 	snop  }
0x132: {  	[tilespmem:s11], [sflag:$0x2] =	stream.indirect_vreg.gather [hbm4b:s1+s3], $0x80, v3, vm0, $0xb8;
	[tilespmem:$0x10200] =	vst v63  }
0x133: {  	v3 =	vld [tilespmem:$0x1A0];
	_ =	sdelay $0x4  }
0x134: {  	v58 =	vshll.u32 v3, $0x1  }
0x135: {  	v3 =	vand.u32 $0x7, v3;
	v4 =	vand.u32 $0xFFFFFFF0, v58  }
0x136: {  	v3 =	vor.u32 v3, v4  }
0x137: {  	v4 =	vperm.xlane v3, v0;
	_ =	sdelay $0x1  }
0x138: {  	v3 =	vperm.xlane v3, v2;
	v4 =	vadd.s32 v1, v4;
	_ =	sdelay $0x1  }
0x139: {  	v3 =	vadd.s32 v1, v3;
	_ =	sdelay $0x1  }
0x13a: {  	s18 =	simm.s32 $0xA200  }
0x13b: {  	[tilespmem:s18], [sflag:$0x2] =	stream.indirect_vreg.gather [hbm4b:s1+s3], $0x80, v4, vm0, $0xb8;
	[tilespmem:$0x10200] =	vst v63  }
0x13c: {  	_ = 	snop  }
0x13d: {  	[tilespmem:s13], [sflag:$0x2] =	stream.indirect_vreg.gather [hbm4b:s1+s3], $0x80, v3, vm0, $0xb8;
	[tilespmem:$0x10200] =	vst v63  }
0x13e: {  	v3 =	vld [tilespmem:$0x1B0];
	_ =	sdelay $0x4  }
0x13f: {  	v59 =	vshll.u32 v3, $0x1  }
0x140: {  	v3 =	vand.u32 $0x7, v3;
	v4 =	vand.u32 $0xFFFFFFF0, v59  }
0x141: {  	v3 =	vor.u32 v3, v4  }
0x142: {  	v4 =	vperm.xlane v3, v0;
	_ =	sdelay $0x1  }
0x143: {  	v3 =	vperm.xlane v3, v2;
	v4 =	vadd.s32 v1, v4;
	_ =	sdelay $0x1  }
0x144: {  	v3 =	vadd.s32 v1, v3;
	_ =	sdelay $0x2  }
0x145: {  	[tilespmem:s6], [sflag:$0x2] =	stream.indirect_vreg.gather [hbm4b:s1+s3], $0x80, v4, vm0, $0xb8;
	[tilespmem:$0x10200] =	vst v63  }
0x146: {  	_ = 	snop  }
0x147: {  	[tilespmem:s7], [sflag:$0x2] =	stream.indirect_vreg.gather [hbm4b:s1+s3], $0x80, v3, vm0, $0xb8;
	[tilespmem:$0x10200] =	vst v63  }
0x148: {  	v3 =	vld [tilespmem:$0x1C0];
	_ =	sdelay $0x4  }
0x149: {  	v60 =	vshll.u32 v3, $0x1  }
0x14a: {  	v3 =	vand.u32 $0x7, v3;
	v4 =	vand.u32 $0xFFFFFFF0, v60  }
0x14b: {  	v3 =	vor.u32 v3, v4  }
0x14c: {  	v4 =	vperm.xlane v3, v0;
	_ =	sdelay $0x1  }
0x14d: {  	v3 =	vperm.xlane v3, v2;
	v4 =	vadd.s32 v1, v4;
	_ =	sdelay $0x1  }
0x14e: {  	v3 =	vadd.s32 v1, v3;
	_ =	sdelay $0x1  }
0x14f: {  	s6 =	simm.s32 $0xC200  }
0x150: {  	[tilespmem:s6], [sflag:$0x2] =	stream.indirect_vreg.gather [hbm4b:s1+s3], $0x80, v4, vm0, $0xb8;
	[tilespmem:$0x10200] =	vst v63  }
0x151: {  	s18 =	simm.s32 $0xCA00  }
0x152: {  	[tilespmem:s18], [sflag:$0x2] =	stream.indirect_vreg.gather [hbm4b:s1+s3], $0x80, v3, vm0, $0xb8;
	[tilespmem:$0x10200] =	vst v63  }
0x153: {  	v3 =	vld [tilespmem:$0x1D0];
	_ =	sdelay $0x4  }
0x154: {  	v61 =	vshll.u32 v3, $0x1  }
0x155: {  	v3 =	vand.u32 $0x7, v3;
	v4 =	vand.u32 $0xFFFFFFF0, v61  }
0x156: {  	v3 =	vor.u32 v3, v4  }
0x157: {  	v4 =	vperm.xlane v3, v0;
	_ =	sdelay $0x1  }
0x158: {  	v3 =	vperm.xlane v3, v2;
	v4 =	vadd.s32 v1, v4;
	_ =	sdelay $0x1  }
0x159: {  	v3 =	vadd.s32 v1, v3;
	_ =	sdelay $0x1  }
0x15a: {  	s6 =	simm.s32 $0xD200  }
0x15b: {  	[tilespmem:s6], [sflag:$0x2] =	stream.indirect_vreg.gather [hbm4b:s1+s3], $0x80, v4, vm0, $0xb8;
	[tilespmem:$0x10200] =	vst v63  }
0x15c: {  	s18 =	simm.s32 $0xDA00  }
0x15d: {  	[tilespmem:s18], [sflag:$0x2] =	stream.indirect_vreg.gather [hbm4b:s1+s3], $0x80, v3, vm0, $0xb8;
	[tilespmem:$0x10200] =	vst v63  }
0x15e: {  	v3 =	vld [tilespmem:$0x1E0];
	_ =	sdelay $0x4  }
0x15f: {  	v62 =	vshll.u32 v3, $0x1  }
0x160: {  	v3 =	vand.u32 $0x7, v3;
	v4 =	vand.u32 $0xFFFFFFF0, v62  }
0x161: {  	v3 =	vor.u32 v3, v4  }
0x162: {  	v4 =	vperm.xlane v3, v0;
	_ =	sdelay $0x1  }
0x163: {  	v3 =	vperm.xlane v3, v2;
	v4 =	vadd.s32 v1, v4;
	_ =	sdelay $0x1  }
0x164: {  	v3 =	vadd.s32 v1, v3;
	_ =	sdelay $0x1  }
0x165: {  	s6 =	simm.s32 $0xE200  }
0x166: {  	[tilespmem:s6], [sflag:$0x2] =	stream.indirect_vreg.gather [hbm4b:s1+s3], $0x80, v4, vm0, $0xb8;
	[tilespmem:$0x10200] =	vst v63  }
0x167: {  	s18 =	simm.s32 $0xEA00  }
0x168: {  	[tilespmem:s18], [sflag:$0x2] =	stream.indirect_vreg.gather [hbm4b:s1+s3], $0x80, v3, vm0, $0xb8;
	[tilespmem:$0x10200] =	vst v63  }
0x169: {  	v3 =	vld [tilespmem:$0x1F0];
	_ =	sdelay $0x4  }
0x16a: {  	v63 =	vshll.u32 v3, $0x1  }
0x16b: {  	v3 =	vand.u32 $0x7, v3;
	v4 =	vand.u32 $0xFFFFFFF0, v63  }
0x16c: {  	v3 =	vor.u32 v3, v4  }
0x16d: {  	v4 =	vperm.xlane v3, v0;
	_ =	sdelay $0x1  }
0x16e: {  	v3 =	vperm.xlane v3, v2;
	v4 =	vadd.s32 v1, v4;
	_ =	sdelay $0x1  }
0x16f: {  	v3 =	vadd.s32 v1, v3;
	_ =	sdelay $0x1  }
0x170: {  	s6 =	simm.s32 $0xF200  }
0x171: {  	[tilespmem:s6], [sflag:$0x2] =	stream.indirect_vreg.gather [hbm4b:s1+s3], $0x80, v4, vm0, $0xb8;
	[tilespmem:$0x10200] =	vst v63  }
0x172: {  	s18 =	simm.s32 $0xFA00  }
0x173: {  	[tilespmem:s18], [sflag:$0x2] =	stream.indirect_vreg.gather [hbm4b:s1+s3], $0x80, v3, vm0, $0xb8;
	[tilespmem:$0x10200] =	vst v63  }
0x174: {  	_ =	swait.ge [sflag:s4], $0x8000  }
0x175: {  	[sflag:s4] =	ssyncset.done $0x0  }
0x176: {  	s12 =	simm.s32 $0x200;
	s6 =	rddreg [dreg:$0x6];
	[sflag:s4] =	ssyncadd.s32 $0xFFFF8000  }
0x177: {  	[hbm4b:s6+s3] =	stream.linear.scatter [tilespmem:s12], [sflag:$0x3], $0x8000, $0x38;
	[tilespmem:$0x10200] =	vst v63  }
0x178: {  	_ =	swait.ge [sflag:s16], $0x8000  }
0x179: {  	[sflag:s16] =	ssyncset.done $0x0  }
0x17a: {  	s12 =	rddreg [dreg:$0x7];
	[sflag:s16] =	ssyncadd.s32 $0xFFFF8000  }
0x17b: {  	[hbm4b:s12+s3] =	stream.linear.scatter [tilespmem:s14], [sflag:$0x4], $0x8000, $0x38;
	[tilespmem:$0x10200] =	vst v63  }
0x17c: {  	p0 =	sne.s32 s5, $0x1;
	_ =	swait.ge [sflag:s15], $0x8000  }
.Ltmp0:
0x17d: {  	[sflag:s15] =	ssyncset.done $0x0;
	(pc) =	sbr.rel @p0 .LBB2_1-.Ltmp0, $4  }
0x17e: {  	[sflag:s15] =	ssyncadd.s32 $0xFFFF8000  }
0x17f: {  	_ =	swait.ge [sflag:s17], $0x8000  }
0x180: {  	[sflag:s17] =	ssyncset.done $0x0  }
0x181: {  	s5 =	sadd.s32 $0xFFFFFFFF, s5;
	[sflag:s17] =	ssyncadd.s32 $0xFFFF8000  }
0x182: {  	_ =	sfence.sel $0x180000  }
0x183: {  	[bflag:$0x0] =	sbarrier.arrive $0xFFFF  }
0x184: {  	_ =	strace $0x90000047  }
0x185: {  	s0 =	stileid.u32;
	[bflag:$0x2] =	sbarrier.arrive $0xFFFF  }
0x186: {  	p0 =	sne.s32 s0, $0x0;
	s0 =	rddreg [dreg:$0x3]  }
0x187: {  	s0 =	sadd.s32 @!p0 $0x100000, s0  }
0x188: {  	[sflag:s0] =	ssyncadd.tile.s32 @!p0 $0x1;
	_ =	shalt  }
.Lfunc_end2:
_tile_overlayer_lowered:
.L_overlay_start_2:
0x189: {  	(tag) =	ssettag $0x2  }
0x18a: {  	s0 =	rddreg [dreg:$0x0];
	s2 =	stileid.u32  }
0x18b: {  	s1 =	rddreg [dreg:$0x1];
	p0 =	sne.s32 s2, $0x0  }
0x18c: {  	s3 =	rddreg [dreg:$0x2];
	[bflag:$0x3] =	sbarrier.arrive $0xFFFF;
	s2 =	simm.s32 @!p0 $0x1C05  }
0x18d: {  	[timem:s3], [sflag:s2] =	dma.local @!p0 [hbm:s0], s1  }
0x18e: {  	s0 =	simm.s32 @!p0 $0x5  }
0x18f: {  	_ =	swait.ge @!p0 [sflag:s0], s1  }
0x190: {  	s1 =	ssub.s32 @!p0 $0x0, s1;
	[sflag:s0] =	ssyncset.done @!p0 $0x0  }
0x191: {  	[sflag:s0] =	ssyncadd.s32 @!p0 s1  }
0x192: {  	[bflag:$0x3] =	sbarrier.arrive $0xFFFF  }
0x193: {  	_ =	shalt  }

</sc_bundles>
